<compile_context>
chip_gen: v7x
topology: tpu7x:2x2x1
jax: 0.10.2.dev20260603
libtpu: 0.0.44.dev20260713+nightly
codegen_flags: <defaults>
</compile_context>

<pallas_src>
import functools

import jax
import jax.numpy as jnp
from jax import lax
from jax.experimental import pallas as pl
from jax.experimental.pallas import tpu as pltpu
from jax.experimental.pallas import tpu_sc as plsc

THRESH = 0.5
B = 256
S7 = 7
HW = 49
C = 512
K = 1000

NC = 2
NS = 16
NW = NC * NS
BPW = B // NW

LANES = 16
APAD = 64
BC = 64

QT = K // 8
BT = B // 128
TW = 8 * 128
PSTRIDE = QT * BT * TW


def _sc_argmax_gather(branchA, intermv):
    mesh = plsc.VectorSubcoreMesh(
        core_axis_name="c", subcore_axis_name="s",
        num_cores=NC, num_subcores=NS)

    @functools.partial(
        pl.kernel,
        out_type=jax.ShapeDtypeStruct((B * APAD,), jnp.float32),
        mesh=mesh,
        compiler_params=pltpu.CompilerParams(
            needs_layout_passes=False, use_tc_tiling_on_sc=False),
        scratch_types=[
            pltpu.VMEM((BPW, K), jnp.float32),
            pltpu.VMEM((BPW, APAD), jnp.int32),
            pltpu.VMEM((BPW * APAD,), jnp.float32),
            pltpu.VMEM((LANES,), jnp.float32),
            pltpu.VMEM((LANES,), jnp.int32),
            pltpu.SemaphoreType.DMA,
        ],
    )
    def sc_k(branchA_hbm, intermv_hbm, out_hbm, rowbuf, idxbuf, valbuf,
             tmpv, tmpi, sem):
        wid = lax.axis_index("s") * NC + lax.axis_index("c")
        base = wid * BPW
        pltpu.sync_copy(branchA_hbm.at[pl.ds(base, BPW), :], rowbuf)
        lanes = lax.iota(jnp.int32, LANES)
        copies = []
        for s in range(BPW):
            def body(c, carry):
                bv, bi = carry
                v = rowbuf[s, pl.ds(c * LANES, LANES)]
                g = c * LANES + lanes
                take = v > bv
                return jnp.where(take, v, bv), jnp.where(take, g, bi)

            init = (jnp.full((LANES,), -jnp.inf, jnp.float32),
                    jnp.zeros((LANES,), jnp.int32))
            bv, bi = lax.fori_loop(0, K // LANES, body, init)
            v = rowbuf[s, pl.ds(K - LANES, LANES)]
            g = (K - LANES) + lanes
            take = v > bv
            bv = jnp.where(take, v, bv)
            bi = jnp.where(take, g, bi)
            for sh in (8, 4, 2, 1):
                tmpv[...] = bv
                tmpi[...] = bi
                perm = jnp.bitwise_xor(lanes, sh)
                pv = plsc.load_gather(tmpv, [perm])
                pi = plsc.load_gather(tmpi, [perm])
                better = (pv > bv) | ((pv == bv) & (pi < bi))
                bv = jnp.where(better, pv, bv)
                bi = jnp.where(better, pi, bi)
            b = base + s
            bt = lax.div(b, jnp.int32(128))
            bl = b - bt * 128
            q = lax.div(bi, jnp.int32(8))
            r = bi - q * 8
            w0 = (q * BT + bt) * TW + r * 128 + bl
            for j in range(APAD // LANES):
                p = jnp.minimum(j * LANES + lanes, HW - 1)
                idxbuf[s, pl.ds(j * LANES, LANES)] = w0 + p * PSTRIDE
            copies.append(pltpu.async_copy(
                intermv_hbm.at[idxbuf.at[s]],
                valbuf.at[pl.ds(s * APAD, APAD)], sem))
        for c in copies:
            c.wait()
        pltpu.sync_copy(valbuf, out_hbm.at[pl.ds(base * APAD, BPW * APAD)])

    return sc_k(branchA, intermv)


def _tc_apply(vgg_t, a2):

    def body(vgg_ref, a_ref, out_ref):
        a = a_ref[...][:, :HW]
        at = jnp.transpose(a, (1, 0))
        m = jnp.where(at > THRESH, at, jnp.zeros_like(at))
        m4 = m.reshape(S7, S7, BC)[:, :, :, None]
        out_ref[...] = vgg_ref[...] - m4

    return pl.pallas_call(
        body,
        grid=(B // BC,),
        in_specs=[
            pl.BlockSpec((S7, S7, BC, C), lambda ib: (0, 0, ib, 0)),
            pl.BlockSpec((BC, APAD), lambda ib: (ib, 0)),
        ],
        out_specs=pl.BlockSpec((S7, S7, BC, C), lambda ib: (0, 0, ib, 0)),
        out_shape=jax.ShapeDtypeStruct((S7, S7, B, C), jnp.float32),
    )(vgg_t, a2)


def kernel(vgg_end, interm, branchA_end):
    intermv = (interm.transpose(1, 2, 3, 0)
               .reshape(HW, QT, 8, BT, 128)
               .transpose(0, 1, 3, 2, 4)
               .reshape(B * HW * K))
    vgg_t = vgg_end.transpose(1, 2, 0, 3)
    a = _sc_argmax_gather(branchA_end, intermv)
    out_t = _tc_apply(vgg_t, a.reshape(B, APAD))
    return out_t.transpose(2, 0, 1, 3)

# --- scband reference (transcript-rebuilt; emitter-appended) ---
"""Pipeline reference for scband-adversarial-53979148976686 (READ-ONLY COPY).

The authoritative reference and input builder live on the scoring server;
editing this copy changes nothing except your own understanding.
"""

import jax, jax.numpy as jnp
import numpy as np

THRESHOLD = 0.5


def setup_inputs(seed: int = 0) -> dict:
    key = jax.random.key(seed)
    k1, k2, k3 = jax.random.split(key, 3)
    vgg_end = jax.random.normal(k1, (256, 7, 7, 512), dtype=jnp.float32)
    interm = jax.random.normal(k2, (256, 7, 7, 1000), dtype=jnp.float32)
    branchA_end = jax.random.normal(k3, (256, 1000), dtype=jnp.float32)
    return {"vgg_end": vgg_end, "interm": interm, "branchA_end": branchA_end}


def reference(vgg_end, interm, branchA_end):
    # max_idx[b] = argmax over class logits for sample b
    max_idx = jnp.argmax(branchA_end, axis=1)  # [B] int
    # interm[bt, :, :, max_idx[bt]] reshaped to [7,7,1], batched via take_along_axis
    a = jnp.take_along_axis(interm, max_idx[:, None, None, None], axis=3)  # [B,7,7,1]
    # tile to [B,7,7,512]
    tmp = jnp.tile(a, (1, 1, 1, 512))
    # threshold: keep values > threshold, else zero (tmp * 0)
    tmp = jnp.where(tmp > THRESHOLD, tmp, jnp.zeros_like(tmp))
    adv = vgg_end - tmp
    return adv

if __name__ == "__main__":
    import jax
    _d = setup_inputs()
    print(jax.jit(kernel)(*tuple(_d.values())))

</pallas_src>

<mosaic_0001>
#map = affine_map<(d0, d1) -> (0, 0)>
#map1 = affine_map<(d0, d1) -> (0)>
module attributes {stable_mosaic.version = 14 : i64} {
  func.func @sc_k(%arg0: i32, %arg1: i32, %arg2: memref<256x1000xf32, #tpu.memory_space<hbm>>, %arg3: memref<12544000xf32, #tpu.memory_space<hbm>>, %arg4: memref<16384xf32, #tpu.memory_space<hbm>>, %arg5: memref<8x1000xf32, #tpu.memory_space<vmem>>, %arg6: memref<8x64xi32, #tpu.memory_space<vmem>>, %arg7: memref<512xf32, #tpu.memory_space<vmem>>, %arg8: memref<16xf32, #tpu.memory_space<vmem>>, %arg9: memref<16xi32, #tpu.memory_space<vmem>>, %arg10: memref<!tpu.dma_semaphore, #tpu.memory_space<semaphore_mem>>) attributes {dimension_semantics = [#tpu.dimension_semantics<core_parallel>, #tpu.dimension_semantics<subcore_parallel>], iteration_bounds = array<i64: 2, 16>, scalar_prefetch = 0 : i64, scratch_operands = 6 : i64, tpu.core_type = #tpu.core_type<sc_vector_subcore>, window_params = [{transform_indices = #map}, {transform_indices = #map1}, {transform_indices = #map1}]} {
    %mul3A = arith.constant 2 : i32
    %mul3A_0 = arith.muli %arg1, %mul3A : i32
    %add3A = arith.addi %mul3A_0, %arg0 : i32
    %mul3A_1 = arith.constant 8 : i32
    %mul3A_2 = arith.muli %add3A, %mul3A_1 : i32
    "tpu.region"() ({
      %run_scoped3A = tpu.sem_alloc : memref<!tpu.dma_semaphore, #tpu.memory_space<semaphore_mem>>
      %dma_start3A_1460 = arith.constant 0 : i32
      %dma_start3A_1461 = tpu.memref_slice %arg2[%mul3A_2, %dma_start3A_1460] : memref<256x1000xf32, #tpu.memory_space<hbm>> -> memref<8x1000xf32, #tpu.memory_space<hbm>>
      %dma_start3A_1462 = arith.constant 0 : i32
      %dma_start3A_1463 = tpu.memref_slice %arg2[%mul3A_2, %dma_start3A_1462] : memref<256x1000xf32, #tpu.memory_space<hbm>> -> memref<8x1000xf32, #tpu.memory_space<hbm>>
      tpu.enqueue_dma source(%dma_start3A_1463 : memref<8x1000xf32, #tpu.memory_space<hbm>>) target(%arg5 : memref<8x1000xf32, #tpu.memory_space<vmem>>) target_semaphore(%run_scoped3A : memref<!tpu.dma_semaphore, #tpu.memory_space<semaphore_mem>>)
      %dma_wait3A_1464 = arith.constant 0 : i32
      %dma_wait3A_1465 = tpu.memref_slice %arg2[%mul3A_2, %dma_wait3A_1464] : memref<256x1000xf32, #tpu.memory_space<hbm>> -> memref<8x1000xf32, #tpu.memory_space<hbm>>
      %dma_wait3A_1466 = arith.constant 0 : i32
      %dma_wait3A_1467 = tpu.memref_slice %arg2[%mul3A_2, %dma_wait3A_1466] : memref<256x1000xf32, #tpu.memory_space<hbm>> -> memref<8x1000xf32, #tpu.memory_space<hbm>>
      tpu.wait_dma2 semaphore(%run_scoped3A : memref<!tpu.dma_semaphore, #tpu.memory_space<semaphore_mem>>) src(%dma_wait3A_1467 : memref<8x1000xf32, #tpu.memory_space<hbm>>) dst(%arg5 : memref<8x1000xf32, #tpu.memory_space<vmem>>)
      tpu.yield
    }) : () -> ()
    %iota3A = tpu.iota {dimensions = array<i32: 0>} : vector<16xi32>
    %broadcast_in_dim3A = arith.constant 0xFF800000 : f32
    %broadcast_in_dim3A_3 = vector.broadcast %broadcast_in_dim3A : f32 to vector<16xf32>
    %broadcast_in_dim3A_4 = arith.constant 0 : i32
    %broadcast_in_dim3A_5 = vector.broadcast %broadcast_in_dim3A_4 : i32 to vector<16xi32>
    %scan3A = arith.constant 0 : i32
    %scan3A_6 = arith.constant 62 : i32
    %scan3A_7 = arith.addi %scan3A, %scan3A_6 : i32
    %scan3A_8 = arith.constant 1 : i32
    %scan3A_9:2 = scf.for %scan3A_1460 = %scan3A to %scan3A_7 step %scan3A_8 iter_args(%scan3A_1461 = %broadcast_in_dim3A_3, %scan3A_1462 = %broadcast_in_dim3A_5) -> (vector<16xf32>, vector<16xi32>)  : i32 {
      %mul3A_1463 = arith.constant 16 : i32
      %mul3A_1464 = arith.muli %scan3A_1460, %mul3A_1463 : i32
      %get3A_1465 = arith.constant 0 : i32
      %get3A_1466 = arith.index_cast %get3A_1465 : i32 to index
      %get3A_1467 = arith.index_cast %mul3A_1464 : i32 to index
      %get3A_1468 = tpu.vector_load %arg5[%get3A_1466, %get3A_1467] {strides = array<i32>} : memref<8x1000xf32, #tpu.memory_space<vmem>>, vector<16xf32>,
      %mul3A_1469 = arith.constant 16 : i32
      %mul3A_1470 = arith.muli %scan3A_1460, %mul3A_1469 : i32
      %add3A_1471 = vector.broadcast %mul3A_1470 : i32 to vector<16xi32>
      %add3A_1472 = arith.addi %add3A_1471, %iota3A : vector<16xi32>
      %gt3A_1473 = arith.cmpf ogt, %get3A_1468, %scan3A_1461 : vector<16xf32>
      %select_n3A_1474 = arith.select %gt3A_1473, %get3A_1468, %scan3A_1461 : vector<16xi1>, vector<16xf32>
      %select_n3A_1475 = arith.select %gt3A_1473, %add3A_1472, %scan3A_1462 : vector<16xi1>, vector<16xi32>
      scf.yield %select_n3A_1474, %select_n3A_1475 : vector<16xf32>, vector<16xi32>
    }
    %scan3A_10 = arith.constant 62 : i32
    %get3A = arith.constant 0 : i32
    %get3A_11 = arith.index_cast %get3A : i32 to index
    %get3A_12 = arith.constant 984 : index
    %get3A_13 = tpu.vector_load %arg5[%get3A_11, %get3A_12] {strides = array<i32>} : memref<8x1000xf32, #tpu.memory_space<vmem>>, vector<16xf32>,
    %add3A_14 = arith.constant 984 : i32
    %add3A_15 = vector.broadcast %add3A_14 : i32 to vector<16xi32>
    %add3A_16 = arith.addi %add3A_15, %iota3A : vector<16xi32>
    %gt3A = arith.cmpf ogt, %get3A_13, %scan3A_9#0 : vector<16xf32>
    %select_n3A = arith.select %gt3A, %get3A_13, %scan3A_9#0 : vector<16xi1>, vector<16xf32>
    %select_n3A_17 = arith.select %gt3A, %add3A_16, %scan3A_9#1 : vector<16xi1>, vector<16xi32>
    %swap3A = arith.constant 0 : index
    %swap3A_18 = tpu.vector_load %arg8[%swap3A] {strides = array<i32>} : memref<16xf32, #tpu.memory_space<vmem>>, vector<16xf32>,
    tpu.vector_store %arg8[%swap3A], %select_n3A {strides = array<i32>} : memref<16xf32, #tpu.memory_space<vmem>>, vector<16xf32>,
    %swap3A_19 = arith.constant 0 : index
    %swap3A_20 = tpu.vector_load %arg9[%swap3A_19] {strides = array<i32>} : memref<16xi32, #tpu.memory_space<vmem>>, vector<16xi32>,
    tpu.vector_store %arg9[%swap3A_19], %select_n3A_17 {strides = array<i32>} : memref<16xi32, #tpu.memory_space<vmem>>, vector<16xi32>,
    %xor3A = arith.constant 8 : i32
    %xor3A_21 = vector.broadcast %xor3A : i32 to vector<16xi32>
    %xor3A_22 = arith.xori %iota3A, %xor3A_21 : vector<16xi32>
    %gather3A = tpu.vector_load_idx %arg8[%xor3A_22] : memref<16xf32, #tpu.memory_space<vmem>>[vector<16xi32>], vector<16xf32>,
    %gather3A_23 = tpu.vector_load_idx %arg9[%xor3A_22] : memref<16xi32, #tpu.memory_space<vmem>>[vector<16xi32>], vector<16xi32>,
    %gt3A_24 = arith.cmpf ogt, %gather3A, %select_n3A : vector<16xf32>
    %eq3A = arith.cmpf oeq, %gather3A, %select_n3A : vector<16xf32>
    %lt3A = arith.cmpi slt, %gather3A_23, %select_n3A_17 : vector<16xi32>
    %and3A = arith.andi %eq3A, %lt3A : vector<16xi1>
    %or3A = arith.ori %gt3A_24, %and3A : vector<16xi1>
    %select_n3A_25 = arith.select %or3A, %gather3A, %select_n3A : vector<16xi1>, vector<16xf32>
    %select_n3A_26 = arith.select %or3A, %gather3A_23, %select_n3A_17 : vector<16xi1>, vector<16xi32>
    %swap3A_27 = arith.constant 0 : index
    %swap3A_28 = tpu.vector_load %arg8[%swap3A_27] {strides = array<i32>} : memref<16xf32, #tpu.memory_space<vmem>>, vector<16xf32>,
    tpu.vector_store %arg8[%swap3A_27], %select_n3A_25 {strides = array<i32>} : memref<16xf32, #tpu.memory_space<vmem>>, vector<16xf32>,
    %swap3A_29 = arith.constant 0 : index
    %swap3A_30 = tpu.vector_load %arg9[%swap3A_29] {strides = array<i32>} : memref<16xi32, #tpu.memory_space<vmem>>, vector<16xi32>,
    tpu.vector_store %arg9[%swap3A_29], %select_n3A_26 {strides = array<i32>} : memref<16xi32, #tpu.memory_space<vmem>>, vector<16xi32>,
    %xor3A_31 = arith.constant 4 : i32
    %xor3A_32 = vector.broadcast %xor3A_31 : i32 to vector<16xi32>
    %xor3A_33 = arith.xori %iota3A, %xor3A_32 : vector<16xi32>
    %gather3A_34 = tpu.vector_load_idx %arg8[%xor3A_33] : memref<16xf32, #tpu.memory_space<vmem>>[vector<16xi32>], vector<16xf32>,
    %gather3A_35 = tpu.vector_load_idx %arg9[%xor3A_33] : memref<16xi32, #tpu.memory_space<vmem>>[vector<16xi32>], vector<16xi32>,
    %gt3A_36 = arith.cmpf ogt, %gather3A_34, %select_n3A_25 : vector<16xf32>
    %eq3A_37 = arith.cmpf oeq, %gather3A_34, %select_n3A_25 : vector<16xf32>
    %lt3A_38 = arith.cmpi slt, %gather3A_35, %select_n3A_26 : vector<16xi32>
    %and3A_39 = arith.andi %eq3A_37, %lt3A_38 : vector<16xi1>
    %or3A_40 = arith.ori %gt3A_36, %and3A_39 : vector<16xi1>
    %select_n3A_41 = arith.select %or3A_40, %gather3A_34, %select_n3A_25 : vector<16xi1>, vector<16xf32>
    %select_n3A_42 = arith.select %or3A_40, %gather3A_35, %select_n3A_26 : vector<16xi1>, vector<16xi32>
    %swap3A_43 = arith.constant 0 : index
    %swap3A_44 = tpu.vector_load %arg8[%swap3A_43] {strides = array<i32>} : memref<16xf32, #tpu.memory_space<vmem>>, vector<16xf32>,
    tpu.vector_store %arg8[%swap3A_43], %select_n3A_41 {strides = array<i32>} : memref<16xf32, #tpu.memory_space<vmem>>, vector<16xf32>,
    %swap3A_45 = arith.constant 0 : index
    %swap3A_46 = tpu.vector_load %arg9[%swap3A_45] {strides = array<i32>} : memref<16xi32, #tpu.memory_space<vmem>>, vector<16xi32>,
    tpu.vector_store %arg9[%swap3A_45], %select_n3A_42 {strides = array<i32>} : memref<16xi32, #tpu.memory_space<vmem>>, vector<16xi32>,
    %xor3A_47 = arith.constant 2 : i32
    %xor3A_48 = vector.broadcast %xor3A_47 : i32 to vector<16xi32>
    %xor3A_49 = arith.xori %iota3A, %xor3A_48 : vector<16xi32>
    %gather3A_50 = tpu.vector_load_idx %arg8[%xor3A_49] : memref<16xf32, #tpu.memory_space<vmem>>[vector<16xi32>], vector<16xf32>,
    %gather3A_51 = tpu.vector_load_idx %arg9[%xor3A_49] : memref<16xi32, #tpu.memory_space<vmem>>[vector<16xi32>], vector<16xi32>,
    %gt3A_52 = arith.cmpf ogt, %gather3A_50, %select_n3A_41 : vector<16xf32>
    %eq3A_53 = arith.cmpf oeq, %gather3A_50, %select_n3A_41 : vector<16xf32>
    %lt3A_54 = arith.cmpi slt, %gather3A_51, %select_n3A_42 : vector<16xi32>
    %and3A_55 = arith.andi %eq3A_53, %lt3A_54 : vector<16xi1>
    %or3A_56 = arith.ori %gt3A_52, %and3A_55 : vector<16xi1>
    %select_n3A_57 = arith.select %or3A_56, %gather3A_50, %select_n3A_41 : vector<16xi1>, vector<16xf32>
    %select_n3A_58 = arith.select %or3A_56, %gather3A_51, %select_n3A_42 : vector<16xi1>, vector<16xi32>
    %swap3A_59 = arith.constant 0 : index
    %swap3A_60 = tpu.vector_load %arg8[%swap3A_59] {strides = array<i32>} : memref<16xf32, #tpu.memory_space<vmem>>, vector<16xf32>,
    tpu.vector_store %arg8[%swap3A_59], %select_n3A_57 {strides = array<i32>} : memref<16xf32, #tpu.memory_space<vmem>>, vector<16xf32>,
    %swap3A_61 = arith.constant 0 : index
    %swap3A_62 = tpu.vector_load %arg9[%swap3A_61] {strides = array<i32>} : memref<16xi32, #tpu.memory_space<vmem>>, vector<16xi32>,
    tpu.vector_store %arg9[%swap3A_61], %select_n3A_58 {strides = array<i32>} : memref<16xi32, #tpu.memory_space<vmem>>, vector<16xi32>,
    %xor3A_63 = arith.constant 1 : i32
    %xor3A_64 = vector.broadcast %xor3A_63 : i32 to vector<16xi32>
    %xor3A_65 = arith.xori %iota3A, %xor3A_64 : vector<16xi32>
    %gather3A_66 = tpu.vector_load_idx %arg8[%xor3A_65] : memref<16xf32, #tpu.memory_space<vmem>>[vector<16xi32>], vector<16xf32>,
    %gather3A_67 = tpu.vector_load_idx %arg9[%xor3A_65] : memref<16xi32, #tpu.memory_space<vmem>>[vector<16xi32>], vector<16xi32>,
    %gt3A_68 = arith.cmpf ogt, %gather3A_66, %select_n3A_57 : vector<16xf32>
    %eq3A_69 = arith.cmpf oeq, %gather3A_66, %select_n3A_57 : vector<16xf32>
    %lt3A_70 = arith.cmpi slt, %gather3A_67, %select_n3A_58 : vector<16xi32>
    %and3A_71 = arith.andi %eq3A_69, %lt3A_70 : vector<16xi1>
    %or3A_72 = arith.ori %gt3A_68, %and3A_71 : vector<16xi1>
    %select_n3A_73 = arith.select %or3A_72, %gather3A_66, %select_n3A_57 : vector<16xi1>, vector<16xf32>
    %select_n3A_74 = arith.select %or3A_72, %gather3A_67, %select_n3A_58 : vector<16xi1>, vector<16xi32>
    %add3A_75 = arith.constant 0 : i32
    %add3A_76 = arith.addi %mul3A_2, %add3A_75 : i32
    %div3A = arith.constant 128 : i32
    %div3A_77 = arith.divsi %add3A_76, %div3A : i32
    %mul3A_78 = arith.constant 128 : i32
    %mul3A_79 = arith.muli %div3A_77, %mul3A_78 : i32
    %sub3A = arith.subi %add3A_76, %mul3A_79 : i32
    %div3A_80 = arith.constant 8 : i32
    %div3A_81 = vector.broadcast %div3A_80 : i32 to vector<16xi32>
    %div3A_82 = arith.divsi %select_n3A_74, %div3A_81 : vector<16xi32>
    %mul3A_83 = arith.constant 8 : i32
    %mul3A_84 = vector.broadcast %mul3A_83 : i32 to vector<16xi32>
    %mul3A_85 = arith.muli %div3A_82, %mul3A_84 : vector<16xi32>
    %sub3A_86 = arith.subi %select_n3A_74, %mul3A_85 : vector<16xi32>
    %mul3A_87 = arith.constant 2 : i32
    %mul3A_88 = vector.broadcast %mul3A_87 : i32 to vector<16xi32>
    %mul3A_89 = arith.muli %div3A_82, %mul3A_88 : vector<16xi32>
    %add3A_90 = vector.broadcast %div3A_77 : i32 to vector<16xi32>
    %add3A_91 = arith.addi %mul3A_89, %add3A_90 : vector<16xi32>
    %mul3A_92 = arith.constant 1024 : i32
    %mul3A_93 = vector.broadcast %mul3A_92 : i32 to vector<16xi32>
    %mul3A_94 = arith.muli %add3A_91, %mul3A_93 : vector<16xi32>
    %mul3A_95 = arith.constant 128 : i32
    %mul3A_96 = vector.broadcast %mul3A_95 : i32 to vector<16xi32>
    %mul3A_97 = arith.muli %sub3A_86, %mul3A_96 : vector<16xi32>
    %add3A_98 = arith.addi %mul3A_94, %mul3A_97 : vector<16xi32>
    %add3A_99 = vector.broadcast %sub3A : i32 to vector<16xi32>
    %add3A_100 = arith.addi %add3A_98, %add3A_99 : vector<16xi32>
    %add3A_101 = arith.constant 0 : i32
    %add3A_102 = vector.broadcast %add3A_101 : i32 to vector<16xi32>
    %add3A_103 = arith.addi %add3A_102, %iota3A : vector<16xi32>
    %min3A = arith.constant 48 : i32
    %min3A_104 = vector.broadcast %min3A : i32 to vector<16xi32>
    %min3A_105 = arith.minsi %add3A_103, %min3A_104 : vector<16xi32>
    %mul3A_106 = arith.constant 256000 : i32
    %mul3A_107 = vector.broadcast %mul3A_106 : i32 to vector<16xi32>
    %mul3A_108 = arith.muli %min3A_105, %mul3A_107 : vector<16xi32>
    %add3A_109 = arith.addi %add3A_100, %mul3A_108 : vector<16xi32>
    %swap3A_110 = arith.constant 0 : i32
    %swap3A_111 = arith.index_cast %swap3A_110 : i32 to index
    %swap3A_112 = arith.constant 0 : index
    %swap3A_113 = tpu.vector_load %arg6[%swap3A_111, %swap3A_112] {strides = array<i32>} : memref<8x64xi32, #tpu.memory_space<vmem>>, vector<16xi32>,
    tpu.vector_store %arg6[%swap3A_111, %swap3A_112], %add3A_109 {strides = array<i32>} : memref<8x64xi32, #tpu.memory_space<vmem>>, vector<16xi32>,
    %add3A_114 = arith.constant 16 : i32
    %add3A_115 = vector.broadcast %add3A_114 : i32 to vector<16xi32>
    %add3A_116 = arith.addi %add3A_115, %iota3A : vector<16xi32>
    %min3A_117 = arith.constant 48 : i32
    %min3A_118 = vector.broadcast %min3A_117 : i32 to vector<16xi32>
    %min3A_119 = arith.minsi %add3A_116, %min3A_118 : vector<16xi32>
    %mul3A_120 = arith.constant 256000 : i32
    %mul3A_121 = vector.broadcast %mul3A_120 : i32 to vector<16xi32>
    %mul3A_122 = arith.muli %min3A_119, %mul3A_121 : vector<16xi32>
    %add3A_123 = arith.addi %add3A_100, %mul3A_122 : vector<16xi32>
    %swap3A_124 = arith.constant 0 : i32
    %swap3A_125 = arith.index_cast %swap3A_124 : i32 to index
    %swap3A_126 = arith.constant 16 : index
    %swap3A_127 = tpu.vector_load %arg6[%swap3A_125, %swap3A_126] {strides = array<i32>} : memref<8x64xi32, #tpu.memory_space<vmem>>, vector<16xi32>,
    tpu.vector_store %arg6[%swap3A_125, %swap3A_126], %add3A_123 {strides = array<i32>} : memref<8x64xi32, #tpu.memory_space<vmem>>, vector<16xi32>,
    %add3A_128 = arith.constant 32 : i32
    %add3A_129 = vector.broadcast %add3A_128 : i32 to vector<16xi32>
    %add3A_130 = arith.addi %add3A_129, %iota3A : vector<16xi32>
    %min3A_131 = arith.constant 48 : i32
    %min3A_132 = vector.broadcast %min3A_131 : i32 to vector<16xi32>
    %min3A_133 = arith.minsi %add3A_130, %min3A_132 : vector<16xi32>
    %mul3A_134 = arith.constant 256000 : i32
    %mul3A_135 = vector.broadcast %mul3A_134 : i32 to vector<16xi32>
    %mul3A_136 = arith.muli %min3A_133, %mul3A_135 : vector<16xi32>
    %add3A_137 = arith.addi %add3A_100, %mul3A_136 : vector<16xi32>
    %swap3A_138 = arith.constant 0 : i32
    %swap3A_139 = arith.index_cast %swap3A_138 : i32 to index
    %swap3A_140 = arith.constant 32 : index
    %swap3A_141 = tpu.vector_load %arg6[%swap3A_139, %swap3A_140] {strides = array<i32>} : memref<8x64xi32, #tpu.memory_space<vmem>>, vector<16xi32>,
    tpu.vector_store %arg6[%swap3A_139, %swap3A_140], %add3A_137 {strides = array<i32>} : memref<8x64xi32, #tpu.memory_space<vmem>>, vector<16xi32>,
    %add3A_142 = arith.constant 48 : i32
    %add3A_143 = vector.broadcast %add3A_142 : i32 to vector<16xi32>
    %add3A_144 = arith.addi %add3A_143, %iota3A : vector<16xi32>
    %min3A_145 = arith.constant 48 : i32
    %min3A_146 = vector.broadcast %min3A_145 : i32 to vector<16xi32>
    %min3A_147 = arith.minsi %add3A_144, %min3A_146 : vector<16xi32>
    %mul3A_148 = arith.constant 256000 : i32
    %mul3A_149 = vector.broadcast %mul3A_148 : i32 to vector<16xi32>
    %mul3A_150 = arith.muli %min3A_147, %mul3A_149 : vector<16xi32>
    %add3A_151 = arith.addi %add3A_100, %mul3A_150 : vector<16xi32>
    %swap3A_152 = arith.constant 0 : i32
    %swap3A_153 = arith.index_cast %swap3A_152 : i32 to index
    %swap3A_154 = arith.constant 48 : index
    %swap3A_155 = tpu.vector_load %arg6[%swap3A_153, %swap3A_154] {strides = array<i32>} : memref<8x64xi32, #tpu.memory_space<vmem>>, vector<16xi32>,
    tpu.vector_store %arg6[%swap3A_153, %swap3A_154], %add3A_151 {strides = array<i32>} : memref<8x64xi32, #tpu.memory_space<vmem>>, vector<16xi32>,
    %dma_start3A = arith.constant 0 : i32
    %dma_start3A_156 = arith.constant 0 : i32
    %dma_start3A_157 = tpu.memref_slice %arg7[%dma_start3A_156] : memref<512xf32, #tpu.memory_space<vmem>> -> memref<64xf32, #tpu.memory_space<vmem>>
    %dma_start3A_158 = arith.constant 0 : i32
    %dma_start3A_159 = tpu.memref_slice %arg6[%dma_start3A, %dma_start3A_158] : memref<8x64xi32, #tpu.memory_space<vmem>> -> memref<1x64xi32, #tpu.memory_space<vmem>>
    %dma_start3A_160 = tpu.memref_squeeze %dma_start3A_159 : memref<1x64xi32, #tpu.memory_space<vmem>> -> memref<64xi32, #tpu.memory_space<vmem>>
    %dma_start3A_161 = arith.constant 0 : i32
    %dma_start3A_162 = tpu.memref_slice %arg3[%dma_start3A_161] : memref<12544000xf32, #tpu.memory_space<hbm>> -> memref<12544000xf32, #tpu.memory_space<hbm>>
    tpu.enqueue_indirect_dma source(%dma_start3A_162 : memref<12544000xf32, #tpu.memory_space<hbm>>) target(%dma_start3A_157 : memref<64xf32, #tpu.memory_space<vmem>>) offsets(%dma_start3A_160 : memref<64xi32, #tpu.memory_space<vmem>>) semaphore(%arg10 : memref<!tpu.dma_semaphore, #tpu.memory_space<semaphore_mem>>)
    %broadcast_in_dim3A_163 = arith.constant 0xFF800000 : f32
    %broadcast_in_dim3A_164 = vector.broadcast %broadcast_in_dim3A_163 : f32 to vector<16xf32>
    %broadcast_in_dim3A_165 = arith.constant 0 : i32
    %broadcast_in_dim3A_166 = vector.broadcast %broadcast_in_dim3A_165 : i32 to vector<16xi32>
    %scan3A_167 = arith.constant 0 : i32
    %scan3A_168 = arith.constant 62 : i32
    %scan3A_169 = arith.addi %scan3A_167, %scan3A_168 : i32
    %scan3A_170 = arith.constant 1 : i32
    %scan3A_171:2 = scf.for %scan3A_1460 = %scan3A_167 to %scan3A_169 step %scan3A_170 iter_args(%scan3A_1461 = %broadcast_in_dim3A_164, %scan3A_1462 = %broadcast_in_dim3A_166) -> (vector<16xf32>, vector<16xi32>)  : i32 {
      %mul3A_1463 = arith.constant 16 : i32
      %mul3A_1464 = arith.muli %scan3A_1460, %mul3A_1463 : i32
      %get3A_1465 = arith.constant 1 : i32
      %get3A_1466 = arith.index_cast %get3A_1465 : i32 to index
      %get3A_1467 = arith.index_cast %mul3A_1464 : i32 to index
      %get3A_1468 = tpu.vector_load %arg5[%get3A_1466, %get3A_1467] {strides = array<i32>} : memref<8x1000xf32, #tpu.memory_space<vmem>>, vector<16xf32>,
      %mul3A_1469 = arith.constant 16 : i32
      %mul3A_1470 = arith.muli %scan3A_1460, %mul3A_1469 : i32
      %add3A_1471 = vector.broadcast %mul3A_1470 : i32 to vector<16xi32>
      %add3A_1472 = arith.addi %add3A_1471, %iota3A : vector<16xi32>
      %gt3A_1473 = arith.cmpf ogt, %get3A_1468, %scan3A_1461 : vector<16xf32>
      %select_n3A_1474 = arith.select %gt3A_1473, %get3A_1468, %scan3A_1461 : vector<16xi1>, vector<16xf32>
      %select_n3A_1475 = arith.select %gt3A_1473, %add3A_1472, %scan3A_1462 : vector<16xi1>, vector<16xi32>
      scf.yield %select_n3A_1474, %select_n3A_1475 : vector<16xf32>, vector<16xi32>
    }
    %scan3A_172 = arith.constant 62 : i32
    %get3A_173 = arith.constant 1 : i32
    %get3A_174 = arith.index_cast %get3A_173 : i32 to index
    %get3A_175 = arith.constant 984 : index
    %get3A_176 = tpu.vector_load %arg5[%get3A_174, %get3A_175] {strides = array<i32>} : memref<8x1000xf32, #tpu.memory_space<vmem>>, vector<16xf32>,
    %add3A_177 = arith.constant 984 : i32
    %add3A_178 = vector.broadcast %add3A_177 : i32 to vector<16xi32>
    %add3A_179 = arith.addi %add3A_178, %iota3A : vector<16xi32>
    %gt3A_180 = arith.cmpf ogt, %get3A_176, %scan3A_171#0 : vector<16xf32>
    %select_n3A_181 = arith.select %gt3A_180, %get3A_176, %scan3A_171#0 : vector<16xi1>, vector<16xf32>
    %select_n3A_182 = arith.select %gt3A_180, %add3A_179, %scan3A_171#1 : vector<16xi1>, vector<16xi32>
    %swap3A_183 = arith.constant 0 : index
    %swap3A_184 = tpu.vector_load %arg8[%swap3A_183] {strides = array<i32>} : memref<16xf32, #tpu.memory_space<vmem>>, vector<16xf32>,
    tpu.vector_store %arg8[%swap3A_183], %select_n3A_181 {strides = array<i32>} : memref<16xf32, #tpu.memory_space<vmem>>, vector<16xf32>,
    %swap3A_185 = arith.constant 0 : index
    %swap3A_186 = tpu.vector_load %arg9[%swap3A_185] {strides = array<i32>} : memref<16xi32, #tpu.memory_space<vmem>>, vector<16xi32>,
    tpu.vector_store %arg9[%swap3A_185], %select_n3A_182 {strides = array<i32>} : memref<16xi32, #tpu.memory_space<vmem>>, vector<16xi32>,
    %xor3A_187 = arith.constant 8 : i32
    %xor3A_188 = vector.broadcast %xor3A_187 : i32 to vector<16xi32>
    %xor3A_189 = arith.xori %iota3A, %xor3A_188 : vector<16xi32>
    %gather3A_190 = tpu.vector_load_idx %arg8[%xor3A_189] : memref<16xf32, #tpu.memory_space<vmem>>[vector<16xi32>], vector<16xf32>,
    %gather3A_191 = tpu.vector_load_idx %arg9[%xor3A_189] : memref<16xi32, #tpu.memory_space<vmem>>[vector<16xi32>], vector<16xi32>,
    %gt3A_192 = arith.cmpf ogt, %gather3A_190, %select_n3A_181 : vector<16xf32>
    %eq3A_193 = arith.cmpf oeq, %gather3A_190, %select_n3A_181 : vector<16xf32>
    %lt3A_194 = arith.cmpi slt, %gather3A_191, %select_n3A_182 : vector<16xi32>
    %and3A_195 = arith.andi %eq3A_193, %lt3A_194 : vector<16xi1>
    %or3A_196 = arith.ori %gt3A_192, %and3A_195 : vector<16xi1>
    %select_n3A_197 = arith.select %or3A_196, %gather3A_190, %select_n3A_181 : vector<16xi1>, vector<16xf32>
    %select_n3A_198 = arith.select %or3A_196, %gather3A_191, %select_n3A_182 : vector<16xi1>, vector<16xi32>
    %swap3A_199 = arith.constant 0 : index
    %swap3A_200 = tpu.vector_load %arg8[%swap3A_199] {strides = array<i32>} : memref<16xf32, #tpu.memory_space<vmem>>, vector<16xf32>,
    tpu.vector_store %arg8[%swap3A_199], %select_n3A_197 {strides = array<i32>} : memref<16xf32, #tpu.memory_space<vmem>>, vector<16xf32>,
    %swap3A_201 = arith.constant 0 : index
    %swap3A_202 = tpu.vector_load %arg9[%swap3A_201] {strides = array<i32>} : memref<16xi32, #tpu.memory_space<vmem>>, vector<16xi32>,
    tpu.vector_store %arg9[%swap3A_201], %select_n3A_198 {strides = array<i32>} : memref<16xi32, #tpu.memory_space<vmem>>, vector<16xi32>,
    %xor3A_203 = arith.constant 4 : i32
    %xor3A_204 = vector.broadcast %xor3A_203 : i32 to vector<16xi32>
    %xor3A_205 = arith.xori %iota3A, %xor3A_204 : vector<16xi32>
    %gather3A_206 = tpu.vector_load_idx %arg8[%xor3A_205] : memref<16xf32, #tpu.memory_space<vmem>>[vector<16xi32>], vector<16xf32>,
    %gather3A_207 = tpu.vector_load_idx %arg9[%xor3A_205] : memref<16xi32, #tpu.memory_space<vmem>>[vector<16xi32>], vector<16xi32>,
    %gt3A_208 = arith.cmpf ogt, %gather3A_206, %select_n3A_197 : vector<16xf32>
    %eq3A_209 = arith.cmpf oeq, %gather3A_206, %select_n3A_197 : vector<16xf32>
    %lt3A_210 = arith.cmpi slt, %gather3A_207, %select_n3A_198 : vector<16xi32>
    %and3A_211 = arith.andi %eq3A_209, %lt3A_210 : vector<16xi1>
    %or3A_212 = arith.ori %gt3A_208, %and3A_211 : vector<16xi1>
    %select_n3A_213 = arith.select %or3A_212, %gather3A_206, %select_n3A_197 : vector<16xi1>, vector<16xf32>
    %select_n3A_214 = arith.select %or3A_212, %gather3A_207, %select_n3A_198 : vector<16xi1>, vector<16xi32>
    %swap3A_215 = arith.constant 0 : index
    %swap3A_216 = tpu.vector_load %arg8[%swap3A_215] {strides = array<i32>} : memref<16xf32, #tpu.memory_space<vmem>>, vector<16xf32>,
    tpu.vector_store %arg8[%swap3A_215], %select_n3A_213 {strides = array<i32>} : memref<16xf32, #tpu.memory_space<vmem>>, vector<16xf32>,
    %swap3A_217 = arith.constant 0 : index
    %swap3A_218 = tpu.vector_load %arg9[%swap3A_217] {strides = array<i32>} : memref<16xi32, #tpu.memory_space<vmem>>, vector<16xi32>,
    tpu.vector_store %arg9[%swap3A_217], %select_n3A_214 {strides = array<i32>} : memref<16xi32, #tpu.memory_space<vmem>>, vector<16xi32>,
    %xor3A_219 = arith.constant 2 : i32
    %xor3A_220 = vector.broadcast %xor3A_219 : i32 to vector<16xi32>
    %xor3A_221 = arith.xori %iota3A, %xor3A_220 : vector<16xi32>
    %gather3A_222 = tpu.vector_load_idx %arg8[%xor3A_221] : memref<16xf32, #tpu.memory_space<vmem>>[vector<16xi32>], vector<16xf32>,
    %gather3A_223 = tpu.vector_load_idx %arg9[%xor3A_221] : memref<16xi32, #tpu.memory_space<vmem>>[vector<16xi32>], vector<16xi32>,
    %gt3A_224 = arith.cmpf ogt, %gather3A_222, %select_n3A_213 : vector<16xf32>
    %eq3A_225 = arith.cmpf oeq, %gather3A_222, %select_n3A_213 : vector<16xf32>
    %lt3A_226 = arith.cmpi slt, %gather3A_223, %select_n3A_214 : vector<16xi32>
    %and3A_227 = arith.andi %eq3A_225, %lt3A_226 : vector<16xi1>
    %or3A_228 = arith.ori %gt3A_224, %and3A_227 : vector<16xi1>
    %select_n3A_229 = arith.select %or3A_228, %gather3A_222, %select_n3A_213 : vector<16xi1>, vector<16xf32>
    %select_n3A_230 = arith.select %or3A_228, %gather3A_223, %select_n3A_214 : vector<16xi1>, vector<16xi32>
    %swap3A_231 = arith.constant 0 : index
    %swap3A_232 = tpu.vector_load %arg8[%swap3A_231] {strides = array<i32>} : memref<16xf32, #tpu.memory_space<vmem>>, vector<16xf32>,
    tpu.vector_store %arg8[%swap3A_231], %select_n3A_229 {strides = array<i32>} : memref<16xf32, #tpu.memory_space<vmem>>, vector<16xf32>,
    %swap3A_233 = arith.constant 0 : index
    %swap3A_234 = tpu.vector_load %arg9[%swap3A_233] {strides = array<i32>} : memref<16xi32, #tpu.memory_space<vmem>>, vector<16xi32>,
    tpu.vector_store %arg9[%swap3A_233], %select_n3A_230 {strides = array<i32>} : memref<16xi32, #tpu.memory_space<vmem>>, vector<16xi32>,
    %xor3A_235 = arith.constant 1 : i32
    %xor3A_236 = vector.broadcast %xor3A_235 : i32 to vector<16xi32>
    %xor3A_237 = arith.xori %iota3A, %xor3A_236 : vector<16xi32>
    %gather3A_238 = tpu.vector_load_idx %arg8[%xor3A_237] : memref<16xf32, #tpu.memory_space<vmem>>[vector<16xi32>], vector<16xf32>,
    %gather3A_239 = tpu.vector_load_idx %arg9[%xor3A_237] : memref<16xi32, #tpu.memory_space<vmem>>[vector<16xi32>], vector<16xi32>,
    %gt3A_240 = arith.cmpf ogt, %gather3A_238, %select_n3A_229 : vector<16xf32>
    %eq3A_241 = arith.cmpf oeq, %gather3A_238, %select_n3A_229 : vector<16xf32>
    %lt3A_242 = arith.cmpi slt, %gather3A_239, %select_n3A_230 : vector<16xi32>
    %and3A_243 = arith.andi %eq3A_241, %lt3A_242 : vector<16xi1>
    %or3A_244 = arith.ori %gt3A_240, %and3A_243 : vector<16xi1>
    %select_n3A_245 = arith.select %or3A_244, %gather3A_238, %select_n3A_229 : vector<16xi1>, vector<16xf32>
    %select_n3A_246 = arith.select %or3A_244, %gather3A_239, %select_n3A_230 : vector<16xi1>, vector<16xi32>
    %add3A_247 = arith.constant 1 : i32
    %add3A_248 = arith.addi %mul3A_2, %add3A_247 : i32
    %div3A_249 = arith.constant 128 : i32
    %div3A_250 = arith.divsi %add3A_248, %div3A_249 : i32
    %mul3A_251 = arith.constant 128 : i32
    %mul3A_252 = arith.muli %div3A_250, %mul3A_251 : i32
    %sub3A_253 = arith.subi %add3A_248, %mul3A_252 : i32
    %div3A_254 = arith.constant 8 : i32
    %div3A_255 = vector.broadcast %div3A_254 : i32 to vector<16xi32>
    %div3A_256 = arith.divsi %select_n3A_246, %div3A_255 : vector<16xi32>
    %mul3A_257 = arith.constant 8 : i32
    %mul3A_258 = vector.broadcast %mul3A_257 : i32 to vector<16xi32>
    %mul3A_259 = arith.muli %div3A_256, %mul3A_258 : vector<16xi32>
    %sub3A_260 = arith.subi %select_n3A_246, %mul3A_259 : vector<16xi32>
    %mul3A_261 = arith.constant 2 : i32
    %mul3A_262 = vector.broadcast %mul3A_261 : i32 to vector<16xi32>
    %mul3A_263 = arith.muli %div3A_256, %mul3A_262 : vector<16xi32>
    %add3A_264 = vector.broadcast %div3A_250 : i32 to vector<16xi32>
    %add3A_265 = arith.addi %mul3A_263, %add3A_264 : vector<16xi32>
    %mul3A_266 = arith.constant 1024 : i32
    %mul3A_267 = vector.broadcast %mul3A_266 : i32 to vector<16xi32>
    %mul3A_268 = arith.muli %add3A_265, %mul3A_267 : vector<16xi32>
    %mul3A_269 = arith.constant 128 : i32
    %mul3A_270 = vector.broadcast %mul3A_269 : i32 to vector<16xi32>
    %mul3A_271 = arith.muli %sub3A_260, %mul3A_270 : vector<16xi32>
    %add3A_272 = arith.addi %mul3A_268, %mul3A_271 : vector<16xi32>
    %add3A_273 = vector.broadcast %sub3A_253 : i32 to vector<16xi32>
    %add3A_274 = arith.addi %add3A_272, %add3A_273 : vector<16xi32>
    %add3A_275 = arith.constant 0 : i32
    %add3A_276 = vector.broadcast %add3A_275 : i32 to vector<16xi32>
    %add3A_277 = arith.addi %add3A_276, %iota3A : vector<16xi32>
    %min3A_278 = arith.constant 48 : i32
    %min3A_279 = vector.broadcast %min3A_278 : i32 to vector<16xi32>
    %min3A_280 = arith.minsi %add3A_277, %min3A_279 : vector<16xi32>
    %mul3A_281 = arith.constant 256000 : i32
    %mul3A_282 = vector.broadcast %mul3A_281 : i32 to vector<16xi32>
    %mul3A_283 = arith.muli %min3A_280, %mul3A_282 : vector<16xi32>
    %add3A_284 = arith.addi %add3A_274, %mul3A_283 : vector<16xi32>
    %swap3A_285 = arith.constant 1 : i32
    %swap3A_286 = arith.index_cast %swap3A_285 : i32 to index
    %swap3A_287 = arith.constant 0 : index
    %swap3A_288 = tpu.vector_load %arg6[%swap3A_286, %swap3A_287] {strides = array<i32>} : memref<8x64xi32, #tpu.memory_space<vmem>>, vector<16xi32>,
    tpu.vector_store %arg6[%swap3A_286, %swap3A_287], %add3A_284 {strides = array<i32>} : memref<8x64xi32, #tpu.memory_space<vmem>>, vector<16xi32>,
    %add3A_289 = arith.constant 16 : i32
    %add3A_290 = vector.broadcast %add3A_289 : i32 to vector<16xi32>
    %add3A_291 = arith.addi %add3A_290, %iota3A : vector<16xi32>
    %min3A_292 = arith.constant 48 : i32
    %min3A_293 = vector.broadcast %min3A_292 : i32 to vector<16xi32>
    %min3A_294 = arith.minsi %add3A_291, %min3A_293 : vector<16xi32>
    %mul3A_295 = arith.constant 256000 : i32
    %mul3A_296 = vector.broadcast %mul3A_295 : i32 to vector<16xi32>
    %mul3A_297 = arith.muli %min3A_294, %mul3A_296 : vector<16xi32>
    %add3A_298 = arith.addi %add3A_274, %mul3A_297 : vector<16xi32>
    %swap3A_299 = arith.constant 1 : i32
    %swap3A_300 = arith.index_cast %swap3A_299 : i32 to index
    %swap3A_301 = arith.constant 16 : index
    %swap3A_302 = tpu.vector_load %arg6[%swap3A_300, %swap3A_301] {strides = array<i32>} : memref<8x64xi32, #tpu.memory_space<vmem>>, vector<16xi32>,
    tpu.vector_store %arg6[%swap3A_300, %swap3A_301], %add3A_298 {strides = array<i32>} : memref<8x64xi32, #tpu.memory_space<vmem>>, vector<16xi32>,
    %add3A_303 = arith.constant 32 : i32
    %add3A_304 = vector.broadcast %add3A_303 : i32 to vector<16xi32>
    %add3A_305 = arith.addi %add3A_304, %iota3A : vector<16xi32>
    %min3A_306 = arith.constant 48 : i32
    %min3A_307 = vector.broadcast %min3A_306 : i32 to vector<16xi32>
    %min3A_308 = arith.minsi %add3A_305, %min3A_307 : vector<16xi32>
    %mul3A_309 = arith.constant 256000 : i32
    %mul3A_310 = vector.broadcast %mul3A_309 : i32 to vector<16xi32>
    %mul3A_311 = arith.muli %min3A_308, %mul3A_310 : vector<16xi32>
    %add3A_312 = arith.addi %add3A_274, %mul3A_311 : vector<16xi32>
    %swap3A_313 = arith.constant 1 : i32
    %swap3A_314 = arith.index_cast %swap3A_313 : i32 to index
    %swap3A_315 = arith.constant 32 : index
    %swap3A_316 = tpu.vector_load %arg6[%swap3A_314, %swap3A_315] {strides = array<i32>} : memref<8x64xi32, #tpu.memory_space<vmem>>, vector<16xi32>,
    tpu.vector_store %arg6[%swap3A_314, %swap3A_315], %add3A_312 {strides = array<i32>} : memref<8x64xi32, #tpu.memory_space<vmem>>, vector<16xi32>,
    %add3A_317 = arith.constant 48 : i32
    %add3A_318 = vector.broadcast %add3A_317 : i32 to vector<16xi32>
    %add3A_319 = arith.addi %add3A_318, %iota3A : vector<16xi32>
    %min3A_320 = arith.constant 48 : i32
    %min3A_321 = vector.broadcast %min3A_320 : i32 to vector<16xi32>
    %min3A_322 = arith.minsi %add3A_319, %min3A_321 : vector<16xi32>
    %mul3A_323 = arith.constant 256000 : i32
    %mul3A_324 = vector.broadcast %mul3A_323 : i32 to vector<16xi32>
    %mul3A_325 = arith.muli %min3A_322, %mul3A_324 : vector<16xi32>
    %add3A_326 = arith.addi %add3A_274, %mul3A_325 : vector<16xi32>
    %swap3A_327 = arith.constant 1 : i32
    %swap3A_328 = arith.index_cast %swap3A_327 : i32 to index
    %swap3A_329 = arith.constant 48 : index
    %swap3A_330 = tpu.vector_load %arg6[%swap3A_328, %swap3A_329] {strides = array<i32>} : memref<8x64xi32, #tpu.memory_space<vmem>>, vector<16xi32>,
    tpu.vector_store %arg6[%swap3A_328, %swap3A_329], %add3A_326 {strides = array<i32>} : memref<8x64xi32, #tpu.memory_space<vmem>>, vector<16xi32>,
    %dma_start3A_331 = arith.constant 1 : i32
    %dma_start3A_332 = arith.constant 64 : i32
    %dma_start3A_333 = tpu.memref_slice %arg7[%dma_start3A_332] : memref<512xf32, #tpu.memory_space<vmem>> -> memref<64xf32, #tpu.memory_space<vmem>>
    %dma_start3A_334 = arith.constant 0 : i32
    %dma_start3A_335 = tpu.memref_slice %arg6[%dma_start3A_331, %dma_start3A_334] : memref<8x64xi32, #tpu.memory_space<vmem>> -> memref<1x64xi32, #tpu.memory_space<vmem>>
    %dma_start3A_336 = tpu.memref_squeeze %dma_start3A_335 : memref<1x64xi32, #tpu.memory_space<vmem>> -> memref<64xi32, #tpu.memory_space<vmem>>
    %dma_start3A_337 = arith.constant 0 : i32
    %dma_start3A_338 = tpu.memref_slice %arg3[%dma_start3A_337] : memref<12544000xf32, #tpu.memory_space<hbm>> -> memref<12544000xf32, #tpu.memory_space<hbm>>
    tpu.enqueue_indirect_dma source(%dma_start3A_338 : memref<12544000xf32, #tpu.memory_space<hbm>>) target(%dma_start3A_333 : memref<64xf32, #tpu.memory_space<vmem>>) offsets(%dma_start3A_336 : memref<64xi32, #tpu.memory_space<vmem>>) semaphore(%arg10 : memref<!tpu.dma_semaphore, #tpu.memory_space<semaphore_mem>>)
    %broadcast_in_dim3A_339 = arith.constant 0xFF800000 : f32
    %broadcast_in_dim3A_340 = vector.broadcast %broadcast_in_dim3A_339 : f32 to vector<16xf32>
    %broadcast_in_dim3A_341 = arith.constant 0 : i32
    %broadcast_in_dim3A_342 = vector.broadcast %broadcast_in_dim3A_341 : i32 to vector<16xi32>
    %scan3A_343 = arith.constant 0 : i32
    %scan3A_344 = arith.constant 62 : i32
    %scan3A_345 = arith.addi %scan3A_343, %scan3A_344 : i32
    %scan3A_346 = arith.constant 1 : i32
    %scan3A_347:2 = scf.for %scan3A_1460 = %scan3A_343 to %scan3A_345 step %scan3A_346 iter_args(%scan3A_1461 = %broadcast_in_dim3A_340, %scan3A_1462 = %broadcast_in_dim3A_342) -> (vector<16xf32>, vector<16xi32>)  : i32 {
      %mul3A_1463 = arith.constant 16 : i32
      %mul3A_1464 = arith.muli %scan3A_1460, %mul3A_1463 : i32
      %get3A_1465 = arith.constant 2 : i32
      %get3A_1466 = arith.index_cast %get3A_1465 : i32 to index
      %get3A_1467 = arith.index_cast %mul3A_1464 : i32 to index
      %get3A_1468 = tpu.vector_load %arg5[%get3A_1466, %get3A_1467] {strides = array<i32>} : memref<8x1000xf32, #tpu.memory_space<vmem>>, vector<16xf32>,
      %mul3A_1469 = arith.constant 16 : i32
      %mul3A_1470 = arith.muli %scan3A_1460, %mul3A_1469 : i32
      %add3A_1471 = vector.broadcast %mul3A_1470 : i32 to vector<16xi32>
      %add3A_1472 = arith.addi %add3A_1471, %iota3A : vector<16xi32>
      %gt3A_1473 = arith.cmpf ogt, %get3A_1468, %scan3A_1461 : vector<16xf32>
      %select_n3A_1474 = arith.select %gt3A_1473, %get3A_1468, %scan3A_1461 : vector<16xi1>, vector<16xf32>
      %select_n3A_1475 = arith.select %gt3A_1473, %add3A_1472, %scan3A_1462 : vector<16xi1>, vector<16xi32>
      scf.yield %select_n3A_1474, %select_n3A_1475 : vector<16xf32>, vector<16xi32>
    }
    %scan3A_348 = arith.constant 62 : i32
    %get3A_349 = arith.constant 2 : i32
    %get3A_350 = arith.index_cast %get3A_349 : i32 to index
    %get3A_351 = arith.constant 984 : index
    %get3A_352 = tpu.vector_load %arg5[%get3A_350, %get3A_351] {strides = array<i32>} : memref<8x1000xf32, #tpu.memory_space<vmem>>, vector<16xf32>,
    %add3A_353 = arith.constant 984 : i32
    %add3A_354 = vector.broadcast %add3A_353 : i32 to vector<16xi32>
    %add3A_355 = arith.addi %add3A_354, %iota3A : vector<16xi32>
    %gt3A_356 = arith.cmpf ogt, %get3A_352, %scan3A_347#0 : vector<16xf32>
    %select_n3A_357 = arith.select %gt3A_356, %get3A_352, %scan3A_347#0 : vector<16xi1>, vector<16xf32>
    %select_n3A_358 = arith.select %gt3A_356, %add3A_355, %scan3A_347#1 : vector<16xi1>, vector<16xi32>
    %swap3A_359 = arith.constant 0 : index
    %swap3A_360 = tpu.vector_load %arg8[%swap3A_359] {strides = array<i32>} : memref<16xf32, #tpu.memory_space<vmem>>, vector<16xf32>,
    tpu.vector_store %arg8[%swap3A_359], %select_n3A_357 {strides = array<i32>} : memref<16xf32, #tpu.memory_space<vmem>>, vector<16xf32>,
    %swap3A_361 = arith.constant 0 : index
    %swap3A_362 = tpu.vector_load %arg9[%swap3A_361] {strides = array<i32>} : memref<16xi32, #tpu.memory_space<vmem>>, vector<16xi32>,
    tpu.vector_store %arg9[%swap3A_361], %select_n3A_358 {strides = array<i32>} : memref<16xi32, #tpu.memory_space<vmem>>, vector<16xi32>,
    %xor3A_363 = arith.constant 8 : i32
    %xor3A_364 = vector.broadcast %xor3A_363 : i32 to vector<16xi32>
    %xor3A_365 = arith.xori %iota3A, %xor3A_364 : vector<16xi32>
    %gather3A_366 = tpu.vector_load_idx %arg8[%xor3A_365] : memref<16xf32, #tpu.memory_space<vmem>>[vector<16xi32>], vector<16xf32>,
    %gather3A_367 = tpu.vector_load_idx %arg9[%xor3A_365] : memref<16xi32, #tpu.memory_space<vmem>>[vector<16xi32>], vector<16xi32>,
    %gt3A_368 = arith.cmpf ogt, %gather3A_366, %select_n3A_357 : vector<16xf32>
    %eq3A_369 = arith.cmpf oeq, %gather3A_366, %select_n3A_357 : vector<16xf32>
    %lt3A_370 = arith.cmpi slt, %gather3A_367, %select_n3A_358 : vector<16xi32>
    %and3A_371 = arith.andi %eq3A_369, %lt3A_370 : vector<16xi1>
    %or3A_372 = arith.ori %gt3A_368, %and3A_371 : vector<16xi1>
    %select_n3A_373 = arith.select %or3A_372, %gather3A_366, %select_n3A_357 : vector<16xi1>, vector<16xf32>
    %select_n3A_374 = arith.select %or3A_372, %gather3A_367, %select_n3A_358 : vector<16xi1>, vector<16xi32>
    %swap3A_375 = arith.constant 0 : index
    %swap3A_376 = tpu.vector_load %arg8[%swap3A_375] {strides = array<i32>} : memref<16xf32, #tpu.memory_space<vmem>>, vector<16xf32>,
    tpu.vector_store %arg8[%swap3A_375], %select_n3A_373 {strides = array<i32>} : memref<16xf32, #tpu.memory_space<vmem>>, vector<16xf32>,
    %swap3A_377 = arith.constant 0 : index
    %swap3A_378 = tpu.vector_load %arg9[%swap3A_377] {strides = array<i32>} : memref<16xi32, #tpu.memory_space<vmem>>, vector<16xi32>,
    tpu.vector_store %arg9[%swap3A_377], %select_n3A_374 {strides = array<i32>} : memref<16xi32, #tpu.memory_space<vmem>>, vector<16xi32>,
    %xor3A_379 = arith.constant 4 : i32
    %xor3A_380 = vector.broadcast %xor3A_379 : i32 to vector<16xi32>
    %xor3A_381 = arith.xori %iota3A, %xor3A_380 : vector<16xi32>
    %gather3A_382 = tpu.vector_load_idx %arg8[%xor3A_381] : memref<16xf32, #tpu.memory_space<vmem>>[vector<16xi32>], vector<16xf32>,
    %gather3A_383 = tpu.vector_load_idx %arg9[%xor3A_381] : memref<16xi32, #tpu.memory_space<vmem>>[vector<16xi32>], vector<16xi32>,
    %gt3A_384 = arith.cmpf ogt, %gather3A_382, %select_n3A_373 : vector<16xf32>
    %eq3A_385 = arith.cmpf oeq, %gather3A_382, %select_n3A_373 : vector<16xf32>
    %lt3A_386 = arith.cmpi slt, %gather3A_383, %select_n3A_374 : vector<16xi32>
    %and3A_387 = arith.andi %eq3A_385, %lt3A_386 : vector<16xi1>
    %or3A_388 = arith.ori %gt3A_384, %and3A_387 : vector<16xi1>
    %select_n3A_389 = arith.select %or3A_388, %gather3A_382, %select_n3A_373 : vector<16xi1>, vector<16xf32>
    %select_n3A_390 = arith.select %or3A_388, %gather3A_383, %select_n3A_374 : vector<16xi1>, vector<16xi32>
    %swap3A_391 = arith.constant 0 : index
    %swap3A_392 = tpu.vector_load %arg8[%swap3A_391] {strides = array<i32>} : memref<16xf32, #tpu.memory_space<vmem>>, vector<16xf32>,
    tpu.vector_store %arg8[%swap3A_391], %select_n3A_389 {strides = array<i32>} : memref<16xf32, #tpu.memory_space<vmem>>, vector<16xf32>,
    %swap3A_393 = arith.constant 0 : index
    %swap3A_394 = tpu.vector_load %arg9[%swap3A_393] {strides = array<i32>} : memref<16xi32, #tpu.memory_space<vmem>>, vector<16xi32>,
    tpu.vector_store %arg9[%swap3A_393], %select_n3A_390 {strides = array<i32>} : memref<16xi32, #tpu.memory_space<vmem>>, vector<16xi32>,
    %xor3A_395 = arith.constant 2 : i32
    %xor3A_396 = vector.broadcast %xor3A_395 : i32 to vector<16xi32>
    %xor3A_397 = arith.xori %iota3A, %xor3A_396 : vector<16xi32>
    %gather3A_398 = tpu.vector_load_idx %arg8[%xor3A_397] : memref<16xf32, #tpu.memory_space<vmem>>[vector<16xi32>], vector<16xf32>,
    %gather3A_399 = tpu.vector_load_idx %arg9[%xor3A_397] : memref<16xi32, #tpu.memory_space<vmem>>[vector<16xi32>], vector<16xi32>,
    %gt3A_400 = arith.cmpf ogt, %gather3A_398, %select_n3A_389 : vector<16xf32>
    %eq3A_401 = arith.cmpf oeq, %gather3A_398, %select_n3A_389 : vector<16xf32>
    %lt3A_402 = arith.cmpi slt, %gather3A_399, %select_n3A_390 : vector<16xi32>
    %and3A_403 = arith.andi %eq3A_401, %lt3A_402 : vector<16xi1>
    %or3A_404 = arith.ori %gt3A_400, %and3A_403 : vector<16xi1>
    %select_n3A_405 = arith.select %or3A_404, %gather3A_398, %select_n3A_389 : vector<16xi1>, vector<16xf32>
    %select_n3A_406 = arith.select %or3A_404, %gather3A_399, %select_n3A_390 : vector<16xi1>, vector<16xi32>
    %swap3A_407 = arith.constant 0 : index
    %swap3A_408 = tpu.vector_load %arg8[%swap3A_407] {strides = array<i32>} : memref<16xf32, #tpu.memory_space<vmem>>, vector<16xf32>,
    tpu.vector_store %arg8[%swap3A_407], %select_n3A_405 {strides = array<i32>} : memref<16xf32, #tpu.memory_space<vmem>>, vector<16xf32>,
    %swap3A_409 = arith.constant 0 : index
    %swap3A_410 = tpu.vector_load %arg9[%swap3A_409] {strides = array<i32>} : memref<16xi32, #tpu.memory_space<vmem>>, vector<16xi32>,
    tpu.vector_store %arg9[%swap3A_409], %select_n3A_406 {strides = array<i32>} : memref<16xi32, #tpu.memory_space<vmem>>, vector<16xi32>,
    %xor3A_411 = arith.constant 1 : i32
    %xor3A_412 = vector.broadcast %xor3A_411 : i32 to vector<16xi32>
    %xor3A_413 = arith.xori %iota3A, %xor3A_412 : vector<16xi32>
    %gather3A_414 = tpu.vector_load_idx %arg8[%xor3A_413] : memref<16xf32, #tpu.memory_space<vmem>>[vector<16xi32>], vector<16xf32>,
    %gather3A_415 = tpu.vector_load_idx %arg9[%xor3A_413] : memref<16xi32, #tpu.memory_space<vmem>>[vector<16xi32>], vector<16xi32>,
    %gt3A_416 = arith.cmpf ogt, %gather3A_414, %select_n3A_405 : vector<16xf32>
    %eq3A_417 = arith.cmpf oeq, %gather3A_414, %select_n3A_405 : vector<16xf32>
    %lt3A_418 = arith.cmpi slt, %gather3A_415, %select_n3A_406 : vector<16xi32>
    %and3A_419 = arith.andi %eq3A_417, %lt3A_418 : vector<16xi1>
    %or3A_420 = arith.ori %gt3A_416, %and3A_419 : vector<16xi1>
    %select_n3A_421 = arith.select %or3A_420, %gather3A_414, %select_n3A_405 : vector<16xi1>, vector<16xf32>
    %select_n3A_422 = arith.select %or3A_420, %gather3A_415, %select_n3A_406 : vector<16xi1>, vector<16xi32>
    %add3A_423 = arith.constant 2 : i32
    %add3A_424 = arith.addi %mul3A_2, %add3A_423 : i32
    %div3A_425 = arith.constant 128 : i32
    %div3A_426 = arith.divsi %add3A_424, %div3A_425 : i32
    %mul3A_427 = arith.constant 128 : i32
    %mul3A_428 = arith.muli %div3A_426, %mul3A_427 : i32
    %sub3A_429 = arith.subi %add3A_424, %mul3A_428 : i32
    %div3A_430 = arith.constant 8 : i32
    %div3A_431 = vector.broadcast %div3A_430 : i32 to vector<16xi32>
    %div3A_432 = arith.divsi %select_n3A_422, %div3A_431 : vector<16xi32>
    %mul3A_433 = arith.constant 8 : i32
    %mul3A_434 = vector.broadcast %mul3A_433 : i32 to vector<16xi32>
    %mul3A_435 = arith.muli %div3A_432, %mul3A_434 : vector<16xi32>
    %sub3A_436 = arith.subi %select_n3A_422, %mul3A_435 : vector<16xi32>
    %mul3A_437 = arith.constant 2 : i32
    %mul3A_438 = vector.broadcast %mul3A_437 : i32 to vector<16xi32>
    %mul3A_439 = arith.muli %div3A_432, %mul3A_438 : vector<16xi32>
    %add3A_440 = vector.broadcast %div3A_426 : i32 to vector<16xi32>
    %add3A_441 = arith.addi %mul3A_439, %add3A_440 : vector<16xi32>
    %mul3A_442 = arith.constant 1024 : i32
    %mul3A_443 = vector.broadcast %mul3A_442 : i32 to vector<16xi32>
    %mul3A_444 = arith.muli %add3A_441, %mul3A_443 : vector<16xi32>
    %mul3A_445 = arith.constant 128 : i32
    %mul3A_446 = vector.broadcast %mul3A_445 : i32 to vector<16xi32>
    %mul3A_447 = arith.muli %sub3A_436, %mul3A_446 : vector<16xi32>
    %add3A_448 = arith.addi %mul3A_444, %mul3A_447 : vector<16xi32>
    %add3A_449 = vector.broadcast %sub3A_429 : i32 to vector<16xi32>
    %add3A_450 = arith.addi %add3A_448, %add3A_449 : vector<16xi32>
    %add3A_451 = arith.constant 0 : i32
    %add3A_452 = vector.broadcast %add3A_451 : i32 to vector<16xi32>
    %add3A_453 = arith.addi %add3A_452, %iota3A : vector<16xi32>
    %min3A_454 = arith.constant 48 : i32
    %min3A_455 = vector.broadcast %min3A_454 : i32 to vector<16xi32>
    %min3A_456 = arith.minsi %add3A_453, %min3A_455 : vector<16xi32>
    %mul3A_457 = arith.constant 256000 : i32
    %mul3A_458 = vector.broadcast %mul3A_457 : i32 to vector<16xi32>
    %mul3A_459 = arith.muli %min3A_456, %mul3A_458 : vector<16xi32>
    %add3A_460 = arith.addi %add3A_450, %mul3A_459 : vector<16xi32>
    %swap3A_461 = arith.constant 2 : i32
    %swap3A_462 = arith.index_cast %swap3A_461 : i32 to index
    %swap3A_463 = arith.constant 0 : index
    %swap3A_464 = tpu.vector_load %arg6[%swap3A_462, %swap3A_463] {strides = array<i32>} : memref<8x64xi32, #tpu.memory_space<vmem>>, vector<16xi32>,
    tpu.vector_store %arg6[%swap3A_462, %swap3A_463], %add3A_460 {strides = array<i32>} : memref<8x64xi32, #tpu.memory_space<vmem>>, vector<16xi32>,
    %add3A_465 = arith.constant 16 : i32
    %add3A_466 = vector.broadcast %add3A_465 : i32 to vector<16xi32>
    %add3A_467 = arith.addi %add3A_466, %iota3A : vector<16xi32>
    %min3A_468 = arith.constant 48 : i32
    %min3A_469 = vector.broadcast %min3A_468 : i32 to vector<16xi32>
    %min3A_470 = arith.minsi %add3A_467, %min3A_469 : vector<16xi32>
    %mul3A_471 = arith.constant 256000 : i32
    %mul3A_472 = vector.broadcast %mul3A_471 : i32 to vector<16xi32>
    %mul3A_473 = arith.muli %min3A_470, %mul3A_472 : vector<16xi32>
    %add3A_474 = arith.addi %add3A_450, %mul3A_473 : vector<16xi32>
    %swap3A_475 = arith.constant 2 : i32
    %swap3A_476 = arith.index_cast %swap3A_475 : i32 to index
    %swap3A_477 = arith.constant 16 : index
    %swap3A_478 = tpu.vector_load %arg6[%swap3A_476, %swap3A_477] {strides = array<i32>} : memref<8x64xi32, #tpu.memory_space<vmem>>, vector<16xi32>,
    tpu.vector_store %arg6[%swap3A_476, %swap3A_477], %add3A_474 {strides = array<i32>} : memref<8x64xi32, #tpu.memory_space<vmem>>, vector<16xi32>,
    %add3A_479 = arith.constant 32 : i32
    %add3A_480 = vector.broadcast %add3A_479 : i32 to vector<16xi32>
    %add3A_481 = arith.addi %add3A_480, %iota3A : vector<16xi32>
    %min3A_482 = arith.constant 48 : i32
    %min3A_483 = vector.broadcast %min3A_482 : i32 to vector<16xi32>
    %min3A_484 = arith.minsi %add3A_481, %min3A_483 : vector<16xi32>
    %mul3A_485 = arith.constant 256000 : i32
    %mul3A_486 = vector.broadcast %mul3A_485 : i32 to vector<16xi32>
    %mul3A_487 = arith.muli %min3A_484, %mul3A_486 : vector<16xi32>
    %add3A_488 = arith.addi %add3A_450, %mul3A_487 : vector<16xi32>
    %swap3A_489 = arith.constant 2 : i32
    %swap3A_490 = arith.index_cast %swap3A_489 : i32 to index
    %swap3A_491 = arith.constant 32 : index
    %swap3A_492 = tpu.vector_load %arg6[%swap3A_490, %swap3A_491] {strides = array<i32>} : memref<8x64xi32, #tpu.memory_space<vmem>>, vector<16xi32>,
    tpu.vector_store %arg6[%swap3A_490, %swap3A_491], %add3A_488 {strides = array<i32>} : memref<8x64xi32, #tpu.memory_space<vmem>>, vector<16xi32>,
    %add3A_493 = arith.constant 48 : i32
    %add3A_494 = vector.broadcast %add3A_493 : i32 to vector<16xi32>
    %add3A_495 = arith.addi %add3A_494, %iota3A : vector<16xi32>
    %min3A_496 = arith.constant 48 : i32
    %min3A_497 = vector.broadcast %min3A_496 : i32 to vector<16xi32>
    %min3A_498 = arith.minsi %add3A_495, %min3A_497 : vector<16xi32>
    %mul3A_499 = arith.constant 256000 : i32
    %mul3A_500 = vector.broadcast %mul3A_499 : i32 to vector<16xi32>
    %mul3A_501 = arith.muli %min3A_498, %mul3A_500 : vector<16xi32>
    %add3A_502 = arith.addi %add3A_450, %mul3A_501 : vector<16xi32>
    %swap3A_503 = arith.constant 2 : i32
    %swap3A_504 = arith.index_cast %swap3A_503 : i32 to index
    %swap3A_505 = arith.constant 48 : index
    %swap3A_506 = tpu.vector_load %arg6[%swap3A_504, %swap3A_505] {strides = array<i32>} : memref<8x64xi32, #tpu.memory_space<vmem>>, vector<16xi32>,
    tpu.vector_store %arg6[%swap3A_504, %swap3A_505], %add3A_502 {strides = array<i32>} : memref<8x64xi32, #tpu.memory_space<vmem>>, vector<16xi32>,
    %dma_start3A_507 = arith.constant 2 : i32
    %dma_start3A_508 = arith.constant 128 : i32
    %dma_start3A_509 = tpu.memref_slice %arg7[%dma_start3A_508] : memref<512xf32, #tpu.memory_space<vmem>> -> memref<64xf32, #tpu.memory_space<vmem>>
    %dma_start3A_510 = arith.constant 0 : i32
    %dma_start3A_511 = tpu.memref_slice %arg6[%dma_start3A_507, %dma_start3A_510] : memref<8x64xi32, #tpu.memory_space<vmem>> -> memref<1x64xi32, #tpu.memory_space<vmem>>
    %dma_start3A_512 = tpu.memref_squeeze %dma_start3A_511 : memref<1x64xi32, #tpu.memory_space<vmem>> -> memref<64xi32, #tpu.memory_space<vmem>>
    %dma_start3A_513 = arith.constant 0 : i32
    %dma_start3A_514 = tpu.memref_slice %arg3[%dma_start3A_513] : memref<12544000xf32, #tpu.memory_space<hbm>> -> memref<12544000xf32, #tpu.memory_space<hbm>>
    tpu.enqueue_indirect_dma source(%dma_start3A_514 : memref<12544000xf32, #tpu.memory_space<hbm>>) target(%dma_start3A_509 : memref<64xf32, #tpu.memory_space<vmem>>) offsets(%dma_start3A_512 : memref<64xi32, #tpu.memory_space<vmem>>) semaphore(%arg10 : memref<!tpu.dma_semaphore, #tpu.memory_space<semaphore_mem>>)
    %broadcast_in_dim3A_515 = arith.constant 0xFF800000 : f32
    %broadcast_in_dim3A_516 = vector.broadcast %broadcast_in_dim3A_515 : f32 to vector<16xf32>
    %broadcast_in_dim3A_517 = arith.constant 0 : i32
    %broadcast_in_dim3A_518 = vector.broadcast %broadcast_in_dim3A_517 : i32 to vector<16xi32>
    %scan3A_519 = arith.constant 0 : i32
    %scan3A_520 = arith.constant 62 : i32
    %scan3A_521 = arith.addi %scan3A_519, %scan3A_520 : i32
    %scan3A_522 = arith.constant 1 : i32
    %scan3A_523:2 = scf.for %scan3A_1460 = %scan3A_519 to %scan3A_521 step %scan3A_522 iter_args(%scan3A_1461 = %broadcast_in_dim3A_516, %scan3A_1462 = %broadcast_in_dim3A_518) -> (vector<16xf32>, vector<16xi32>)  : i32 {
      %mul3A_1463 = arith.constant 16 : i32
      %mul3A_1464 = arith.muli %scan3A_1460, %mul3A_1463 : i32
      %get3A_1465 = arith.constant 3 : i32
      %get3A_1466 = arith.index_cast %get3A_1465 : i32 to index
      %get3A_1467 = arith.index_cast %mul3A_1464 : i32 to index
      %get3A_1468 = tpu.vector_load %arg5[%get3A_1466, %get3A_1467] {strides = array<i32>} : memref<8x1000xf32, #tpu.memory_space<vmem>>, vector<16xf32>,
      %mul3A_1469 = arith.constant 16 : i32
      %mul3A_1470 = arith.muli %scan3A_1460, %mul3A_1469 : i32
      %add3A_1471 = vector.broadcast %mul3A_1470 : i32 to vector<16xi32>
      %add3A_1472 = arith.addi %add3A_1471, %iota3A : vector<16xi32>
      %gt3A_1473 = arith.cmpf ogt, %get3A_1468, %scan3A_1461 : vector<16xf32>
      %select_n3A_1474 = arith.select %gt3A_1473, %get3A_1468, %scan3A_1461 : vector<16xi1>, vector<16xf32>
      %select_n3A_1475 = arith.select %gt3A_1473, %add3A_1472, %scan3A_1462 : vector<16xi1>, vector<16xi32>
      scf.yield %select_n3A_1474, %select_n3A_1475 : vector<16xf32>, vector<16xi32>
    }
    %scan3A_524 = arith.constant 62 : i32
    %get3A_525 = arith.constant 3 : i32
    %get3A_526 = arith.index_cast %get3A_525 : i32 to index
    %get3A_527 = arith.constant 984 : index
    %get3A_528 = tpu.vector_load %arg5[%get3A_526, %get3A_527] {strides = array<i32>} : memref<8x1000xf32, #tpu.memory_space<vmem>>, vector<16xf32>,
    %add3A_529 = arith.constant 984 : i32
    %add3A_530 = vector.broadcast %add3A_529 : i32 to vector<16xi32>
    %add3A_531 = arith.addi %add3A_530, %iota3A : vector<16xi32>
    %gt3A_532 = arith.cmpf ogt, %get3A_528, %scan3A_523#0 : vector<16xf32>
    %select_n3A_533 = arith.select %gt3A_532, %get3A_528, %scan3A_523#0 : vector<16xi1>, vector<16xf32>
    %select_n3A_534 = arith.select %gt3A_532, %add3A_531, %scan3A_523#1 : vector<16xi1>, vector<16xi32>
    %swap3A_535 = arith.constant 0 : index
    %swap3A_536 = tpu.vector_load %arg8[%swap3A_535] {strides = array<i32>} : memref<16xf32, #tpu.memory_space<vmem>>, vector<16xf32>,
    tpu.vector_store %arg8[%swap3A_535], %select_n3A_533 {strides = array<i32>} : memref<16xf32, #tpu.memory_space<vmem>>, vector<16xf32>,
    %swap3A_537 = arith.constant 0 : index
    %swap3A_538 = tpu.vector_load %arg9[%swap3A_537] {strides = array<i32>} : memref<16xi32, #tpu.memory_space<vmem>>, vector<16xi32>,
    tpu.vector_store %arg9[%swap3A_537], %select_n3A_534 {strides = array<i32>} : memref<16xi32, #tpu.memory_space<vmem>>, vector<16xi32>,
    %xor3A_539 = arith.constant 8 : i32
    %xor3A_540 = vector.broadcast %xor3A_539 : i32 to vector<16xi32>
    %xor3A_541 = arith.xori %iota3A, %xor3A_540 : vector<16xi32>
    %gather3A_542 = tpu.vector_load_idx %arg8[%xor3A_541] : memref<16xf32, #tpu.memory_space<vmem>>[vector<16xi32>], vector<16xf32>,
    %gather3A_543 = tpu.vector_load_idx %arg9[%xor3A_541] : memref<16xi32, #tpu.memory_space<vmem>>[vector<16xi32>], vector<16xi32>,
    %gt3A_544 = arith.cmpf ogt, %gather3A_542, %select_n3A_533 : vector<16xf32>
    %eq3A_545 = arith.cmpf oeq, %gather3A_542, %select_n3A_533 : vector<16xf32>
    %lt3A_546 = arith.cmpi slt, %gather3A_543, %select_n3A_534 : vector<16xi32>
    %and3A_547 = arith.andi %eq3A_545, %lt3A_546 : vector<16xi1>
    %or3A_548 = arith.ori %gt3A_544, %and3A_547 : vector<16xi1>
    %select_n3A_549 = arith.select %or3A_548, %gather3A_542, %select_n3A_533 : vector<16xi1>, vector<16xf32>
    %select_n3A_550 = arith.select %or3A_548, %gather3A_543, %select_n3A_534 : vector<16xi1>, vector<16xi32>
    %swap3A_551 = arith.constant 0 : index
    %swap3A_552 = tpu.vector_load %arg8[%swap3A_551] {strides = array<i32>} : memref<16xf32, #tpu.memory_space<vmem>>, vector<16xf32>,
    tpu.vector_store %arg8[%swap3A_551], %select_n3A_549 {strides = array<i32>} : memref<16xf32, #tpu.memory_space<vmem>>, vector<16xf32>,
    %swap3A_553 = arith.constant 0 : index
    %swap3A_554 = tpu.vector_load %arg9[%swap3A_553] {strides = array<i32>} : memref<16xi32, #tpu.memory_space<vmem>>, vector<16xi32>,
    tpu.vector_store %arg9[%swap3A_553], %select_n3A_550 {strides = array<i32>} : memref<16xi32, #tpu.memory_space<vmem>>, vector<16xi32>,
    %xor3A_555 = arith.constant 4 : i32
    %xor3A_556 = vector.broadcast %xor3A_555 : i32 to vector<16xi32>
    %xor3A_557 = arith.xori %iota3A, %xor3A_556 : vector<16xi32>
    %gather3A_558 = tpu.vector_load_idx %arg8[%xor3A_557] : memref<16xf32, #tpu.memory_space<vmem>>[vector<16xi32>], vector<16xf32>,
    %gather3A_559 = tpu.vector_load_idx %arg9[%xor3A_557] : memref<16xi32, #tpu.memory_space<vmem>>[vector<16xi32>], vector<16xi32>,
    %gt3A_560 = arith.cmpf ogt, %gather3A_558, %select_n3A_549 : vector<16xf32>
    %eq3A_561 = arith.cmpf oeq, %gather3A_558, %select_n3A_549 : vector<16xf32>
    %lt3A_562 = arith.cmpi slt, %gather3A_559, %select_n3A_550 : vector<16xi32>
    %and3A_563 = arith.andi %eq3A_561, %lt3A_562 : vector<16xi1>
    %or3A_564 = arith.ori %gt3A_560, %and3A_563 : vector<16xi1>
    %select_n3A_565 = arith.select %or3A_564, %gather3A_558, %select_n3A_549 : vector<16xi1>, vector<16xf32>
    %select_n3A_566 = arith.select %or3A_564, %gather3A_559, %select_n3A_550 : vector<16xi1>, vector<16xi32>
    %swap3A_567 = arith.constant 0 : index
    %swap3A_568 = tpu.vector_load %arg8[%swap3A_567] {strides = array<i32>} : memref<16xf32, #tpu.memory_space<vmem>>, vector<16xf32>,
    tpu.vector_store %arg8[%swap3A_567], %select_n3A_565 {strides = array<i32>} : memref<16xf32, #tpu.memory_space<vmem>>, vector<16xf32>,
    %swap3A_569 = arith.constant 0 : index
    %swap3A_570 = tpu.vector_load %arg9[%swap3A_569] {strides = array<i32>} : memref<16xi32, #tpu.memory_space<vmem>>, vector<16xi32>,
    tpu.vector_store %arg9[%swap3A_569], %select_n3A_566 {strides = array<i32>} : memref<16xi32, #tpu.memory_space<vmem>>, vector<16xi32>,
    %xor3A_571 = arith.constant 2 : i32
    %xor3A_572 = vector.broadcast %xor3A_571 : i32 to vector<16xi32>
    %xor3A_573 = arith.xori %iota3A, %xor3A_572 : vector<16xi32>
    %gather3A_574 = tpu.vector_load_idx %arg8[%xor3A_573] : memref<16xf32, #tpu.memory_space<vmem>>[vector<16xi32>], vector<16xf32>,
    %gather3A_575 = tpu.vector_load_idx %arg9[%xor3A_573] : memref<16xi32, #tpu.memory_space<vmem>>[vector<16xi32>], vector<16xi32>,
    %gt3A_576 = arith.cmpf ogt, %gather3A_574, %select_n3A_565 : vector<16xf32>
    %eq3A_577 = arith.cmpf oeq, %gather3A_574, %select_n3A_565 : vector<16xf32>
    %lt3A_578 = arith.cmpi slt, %gather3A_575, %select_n3A_566 : vector<16xi32>
    %and3A_579 = arith.andi %eq3A_577, %lt3A_578 : vector<16xi1>
    %or3A_580 = arith.ori %gt3A_576, %and3A_579 : vector<16xi1>
    %select_n3A_581 = arith.select %or3A_580, %gather3A_574, %select_n3A_565 : vector<16xi1>, vector<16xf32>
    %select_n3A_582 = arith.select %or3A_580, %gather3A_575, %select_n3A_566 : vector<16xi1>, vector<16xi32>
    %swap3A_583 = arith.constant 0 : index
    %swap3A_584 = tpu.vector_load %arg8[%swap3A_583] {strides = array<i32>} : memref<16xf32, #tpu.memory_space<vmem>>, vector<16xf32>,
    tpu.vector_store %arg8[%swap3A_583], %select_n3A_581 {strides = array<i32>} : memref<16xf32, #tpu.memory_space<vmem>>, vector<16xf32>,
    %swap3A_585 = arith.constant 0 : index
    %swap3A_586 = tpu.vector_load %arg9[%swap3A_585] {strides = array<i32>} : memref<16xi32, #tpu.memory_space<vmem>>, vector<16xi32>,
    tpu.vector_store %arg9[%swap3A_585], %select_n3A_582 {strides = array<i32>} : memref<16xi32, #tpu.memory_space<vmem>>, vector<16xi32>,
    %xor3A_587 = arith.constant 1 : i32
    %xor3A_588 = vector.broadcast %xor3A_587 : i32 to vector<16xi32>
    %xor3A_589 = arith.xori %iota3A, %xor3A_588 : vector<16xi32>
    %gather3A_590 = tpu.vector_load_idx %arg8[%xor3A_589] : memref<16xf32, #tpu.memory_space<vmem>>[vector<16xi32>], vector<16xf32>,
    %gather3A_591 = tpu.vector_load_idx %arg9[%xor3A_589] : memref<16xi32, #tpu.memory_space<vmem>>[vector<16xi32>], vector<16xi32>,
    %gt3A_592 = arith.cmpf ogt, %gather3A_590, %select_n3A_581 : vector<16xf32>
    %eq3A_593 = arith.cmpf oeq, %gather3A_590, %select_n3A_581 : vector<16xf32>
    %lt3A_594 = arith.cmpi slt, %gather3A_591, %select_n3A_582 : vector<16xi32>
    %and3A_595 = arith.andi %eq3A_593, %lt3A_594 : vector<16xi1>
    %or3A_596 = arith.ori %gt3A_592, %and3A_595 : vector<16xi1>
    %select_n3A_597 = arith.select %or3A_596, %gather3A_590, %select_n3A_581 : vector<16xi1>, vector<16xf32>
    %select_n3A_598 = arith.select %or3A_596, %gather3A_591, %select_n3A_582 : vector<16xi1>, vector<16xi32>
    %add3A_599 = arith.constant 3 : i32
    %add3A_600 = arith.addi %mul3A_2, %add3A_599 : i32
    %div3A_601 = arith.constant 128 : i32
    %div3A_602 = arith.divsi %add3A_600, %div3A_601 : i32
    %mul3A_603 = arith.constant 128 : i32
    %mul3A_604 = arith.muli %div3A_602, %mul3A_603 : i32
    %sub3A_605 = arith.subi %add3A_600, %mul3A_604 : i32
    %div3A_606 = arith.constant 8 : i32
    %div3A_607 = vector.broadcast %div3A_606 : i32 to vector<16xi32>
    %div3A_608 = arith.divsi %select_n3A_598, %div3A_607 : vector<16xi32>
    %mul3A_609 = arith.constant 8 : i32
    %mul3A_610 = vector.broadcast %mul3A_609 : i32 to vector<16xi32>
    %mul3A_611 = arith.muli %div3A_608, %mul3A_610 : vector<16xi32>
    %sub3A_612 = arith.subi %select_n3A_598, %mul3A_611 : vector<16xi32>
    %mul3A_613 = arith.constant 2 : i32
    %mul3A_614 = vector.broadcast %mul3A_613 : i32 to vector<16xi32>
    %mul3A_615 = arith.muli %div3A_608, %mul3A_614 : vector<16xi32>
    %add3A_616 = vector.broadcast %div3A_602 : i32 to vector<16xi32>
    %add3A_617 = arith.addi %mul3A_615, %add3A_616 : vector<16xi32>
    %mul3A_618 = arith.constant 1024 : i32
    %mul3A_619 = vector.broadcast %mul3A_618 : i32 to vector<16xi32>
    %mul3A_620 = arith.muli %add3A_617, %mul3A_619 : vector<16xi32>
    %mul3A_621 = arith.constant 128 : i32
    %mul3A_622 = vector.broadcast %mul3A_621 : i32 to vector<16xi32>
    %mul3A_623 = arith.muli %sub3A_612, %mul3A_622 : vector<16xi32>
    %add3A_624 = arith.addi %mul3A_620, %mul3A_623 : vector<16xi32>
    %add3A_625 = vector.broadcast %sub3A_605 : i32 to vector<16xi32>
    %add3A_626 = arith.addi %add3A_624, %add3A_625 : vector<16xi32>
    %add3A_627 = arith.constant 0 : i32
    %add3A_628 = vector.broadcast %add3A_627 : i32 to vector<16xi32>
    %add3A_629 = arith.addi %add3A_628, %iota3A : vector<16xi32>
    %min3A_630 = arith.constant 48 : i32
    %min3A_631 = vector.broadcast %min3A_630 : i32 to vector<16xi32>
    %min3A_632 = arith.minsi %add3A_629, %min3A_631 : vector<16xi32>
    %mul3A_633 = arith.constant 256000 : i32
    %mul3A_634 = vector.broadcast %mul3A_633 : i32 to vector<16xi32>
    %mul3A_635 = arith.muli %min3A_632, %mul3A_634 : vector<16xi32>
    %add3A_636 = arith.addi %add3A_626, %mul3A_635 : vector<16xi32>
    %swap3A_637 = arith.constant 3 : i32
    %swap3A_638 = arith.index_cast %swap3A_637 : i32 to index
    %swap3A_639 = arith.constant 0 : index
    %swap3A_640 = tpu.vector_load %arg6[%swap3A_638, %swap3A_639] {strides = array<i32>} : memref<8x64xi32, #tpu.memory_space<vmem>>, vector<16xi32>,
    tpu.vector_store %arg6[%swap3A_638, %swap3A_639], %add3A_636 {strides = array<i32>} : memref<8x64xi32, #tpu.memory_space<vmem>>, vector<16xi32>,
    %add3A_641 = arith.constant 16 : i32
    %add3A_642 = vector.broadcast %add3A_641 : i32 to vector<16xi32>
    %add3A_643 = arith.addi %add3A_642, %iota3A : vector<16xi32>
    %min3A_644 = arith.constant 48 : i32
    %min3A_645 = vector.broadcast %min3A_644 : i32 to vector<16xi32>
    %min3A_646 = arith.minsi %add3A_643, %min3A_645 : vector<16xi32>
    %mul3A_647 = arith.constant 256000 : i32
    %mul3A_648 = vector.broadcast %mul3A_647 : i32 to vector<16xi32>
    %mul3A_649 = arith.muli %min3A_646, %mul3A_648 : vector<16xi32>
    %add3A_650 = arith.addi %add3A_626, %mul3A_649 : vector<16xi32>
    %swap3A_651 = arith.constant 3 : i32
    %swap3A_652 = arith.index_cast %swap3A_651 : i32 to index
    %swap3A_653 = arith.constant 16 : index
    %swap3A_654 = tpu.vector_load %arg6[%swap3A_652, %swap3A_653] {strides = array<i32>} : memref<8x64xi32, #tpu.memory_space<vmem>>, vector<16xi32>,
    tpu.vector_store %arg6[%swap3A_652, %swap3A_653], %add3A_650 {strides = array<i32>} : memref<8x64xi32, #tpu.memory_space<vmem>>, vector<16xi32>,
    %add3A_655 = arith.constant 32 : i32
    %add3A_656 = vector.broadcast %add3A_655 : i32 to vector<16xi32>
    %add3A_657 = arith.addi %add3A_656, %iota3A : vector<16xi32>
    %min3A_658 = arith.constant 48 : i32
    %min3A_659 = vector.broadcast %min3A_658 : i32 to vector<16xi32>
    %min3A_660 = arith.minsi %add3A_657, %min3A_659 : vector<16xi32>
    %mul3A_661 = arith.constant 256000 : i32
    %mul3A_662 = vector.broadcast %mul3A_661 : i32 to vector<16xi32>
    %mul3A_663 = arith.muli %min3A_660, %mul3A_662 : vector<16xi32>
    %add3A_664 = arith.addi %add3A_626, %mul3A_663 : vector<16xi32>
    %swap3A_665 = arith.constant 3 : i32
    %swap3A_666 = arith.index_cast %swap3A_665 : i32 to index
    %swap3A_667 = arith.constant 32 : index
    %swap3A_668 = tpu.vector_load %arg6[%swap3A_666, %swap3A_667] {strides = array<i32>} : memref<8x64xi32, #tpu.memory_space<vmem>>, vector<16xi32>,
    tpu.vector_store %arg6[%swap3A_666, %swap3A_667], %add3A_664 {strides = array<i32>} : memref<8x64xi32, #tpu.memory_space<vmem>>, vector<16xi32>,
    %add3A_669 = arith.constant 48 : i32
    %add3A_670 = vector.broadcast %add3A_669 : i32 to vector<16xi32>
    %add3A_671 = arith.addi %add3A_670, %iota3A : vector<16xi32>
    %min3A_672 = arith.constant 48 : i32
    %min3A_673 = vector.broadcast %min3A_672 : i32 to vector<16xi32>
    %min3A_674 = arith.minsi %add3A_671, %min3A_673 : vector<16xi32>
    %mul3A_675 = arith.constant 256000 : i32
    %mul3A_676 = vector.broadcast %mul3A_675 : i32 to vector<16xi32>
    %mul3A_677 = arith.muli %min3A_674, %mul3A_676 : vector<16xi32>
    %add3A_678 = arith.addi %add3A_626, %mul3A_677 : vector<16xi32>
    %swap3A_679 = arith.constant 3 : i32
    %swap3A_680 = arith.index_cast %swap3A_679 : i32 to index
    %swap3A_681 = arith.constant 48 : index
    %swap3A_682 = tpu.vector_load %arg6[%swap3A_680, %swap3A_681] {strides = array<i32>} : memref<8x64xi32, #tpu.memory_space<vmem>>, vector<16xi32>,
    tpu.vector_store %arg6[%swap3A_680, %swap3A_681], %add3A_678 {strides = array<i32>} : memref<8x64xi32, #tpu.memory_space<vmem>>, vector<16xi32>,
    %dma_start3A_683 = arith.constant 3 : i32
    %dma_start3A_684 = arith.constant 192 : i32
    %dma_start3A_685 = tpu.memref_slice %arg7[%dma_start3A_684] : memref<512xf32, #tpu.memory_space<vmem>> -> memref<64xf32, #tpu.memory_space<vmem>>
    %dma_start3A_686 = arith.constant 0 : i32
    %dma_start3A_687 = tpu.memref_slice %arg6[%dma_start3A_683, %dma_start3A_686] : memref<8x64xi32, #tpu.memory_space<vmem>> -> memref<1x64xi32, #tpu.memory_space<vmem>>
    %dma_start3A_688 = tpu.memref_squeeze %dma_start3A_687 : memref<1x64xi32, #tpu.memory_space<vmem>> -> memref<64xi32, #tpu.memory_space<vmem>>
    %dma_start3A_689 = arith.constant 0 : i32
    %dma_start3A_690 = tpu.memref_slice %arg3[%dma_start3A_689] : memref<12544000xf32, #tpu.memory_space<hbm>> -> memref<12544000xf32, #tpu.memory_space<hbm>>
    tpu.enqueue_indirect_dma source(%dma_start3A_690 : memref<12544000xf32, #tpu.memory_space<hbm>>) target(%dma_start3A_685 : memref<64xf32, #tpu.memory_space<vmem>>) offsets(%dma_start3A_688 : memref<64xi32, #tpu.memory_space<vmem>>) semaphore(%arg10 : memref<!tpu.dma_semaphore, #tpu.memory_space<semaphore_mem>>)
    %broadcast_in_dim3A_691 = arith.constant 0xFF800000 : f32
    %broadcast_in_dim3A_692 = vector.broadcast %broadcast_in_dim3A_691 : f32 to vector<16xf32>
    %broadcast_in_dim3A_693 = arith.constant 0 : i32
    %broadcast_in_dim3A_694 = vector.broadcast %broadcast_in_dim3A_693 : i32 to vector<16xi32>
    %scan3A_695 = arith.constant 0 : i32
    %scan3A_696 = arith.constant 62 : i32
    %scan3A_697 = arith.addi %scan3A_695, %scan3A_696 : i32
    %scan3A_698 = arith.constant 1 : i32
    %scan3A_699:2 = scf.for %scan3A_1460 = %scan3A_695 to %scan3A_697 step %scan3A_698 iter_args(%scan3A_1461 = %broadcast_in_dim3A_692, %scan3A_1462 = %broadcast_in_dim3A_694) -> (vector<16xf32>, vector<16xi32>)  : i32 {
      %mul3A_1463 = arith.constant 16 : i32
      %mul3A_1464 = arith.muli %scan3A_1460, %mul3A_1463 : i32
      %get3A_1465 = arith.constant 4 : i32
      %get3A_1466 = arith.index_cast %get3A_1465 : i32 to index
      %get3A_1467 = arith.index_cast %mul3A_1464 : i32 to index
      %get3A_1468 = tpu.vector_load %arg5[%get3A_1466, %get3A_1467] {strides = array<i32>} : memref<8x1000xf32, #tpu.memory_space<vmem>>, vector<16xf32>,
      %mul3A_1469 = arith.constant 16 : i32
      %mul3A_1470 = arith.muli %scan3A_1460, %mul3A_1469 : i32
      %add3A_1471 = vector.broadcast %mul3A_1470 : i32 to vector<16xi32>
      %add3A_1472 = arith.addi %add3A_1471, %iota3A : vector<16xi32>
      %gt3A_1473 = arith.cmpf ogt, %get3A_1468, %scan3A_1461 : vector<16xf32>
      %select_n3A_1474 = arith.select %gt3A_1473, %get3A_1468, %scan3A_1461 : vector<16xi1>, vector<16xf32>
      %select_n3A_1475 = arith.select %gt3A_1473, %add3A_1472, %scan3A_1462 : vector<16xi1>, vector<16xi32>
      scf.yield %select_n3A_1474, %select_n3A_1475 : vector<16xf32>, vector<16xi32>
    }
    %scan3A_700 = arith.constant 62 : i32
    %get3A_701 = arith.constant 4 : i32
    %get3A_702 = arith.index_cast %get3A_701 : i32 to index
    %get3A_703 = arith.constant 984 : index
    %get3A_704 = tpu.vector_load %arg5[%get3A_702, %get3A_703] {strides = array<i32>} : memref<8x1000xf32, #tpu.memory_space<vmem>>, vector<16xf32>,
    %add3A_705 = arith.constant 984 : i32
    %add3A_706 = vector.broadcast %add3A_705 : i32 to vector<16xi32>
    %add3A_707 = arith.addi %add3A_706, %iota3A : vector<16xi32>
    %gt3A_708 = arith.cmpf ogt, %get3A_704, %scan3A_699#0 : vector<16xf32>
    %select_n3A_709 = arith.select %gt3A_708, %get3A_704, %scan3A_699#0 : vector<16xi1>, vector<16xf32>
    %select_n3A_710 = arith.select %gt3A_708, %add3A_707, %scan3A_699#1 : vector<16xi1>, vector<16xi32>
    %swap3A_711 = arith.constant 0 : index
    %swap3A_712 = tpu.vector_load %arg8[%swap3A_711] {strides = array<i32>} : memref<16xf32, #tpu.memory_space<vmem>>, vector<16xf32>,
    tpu.vector_store %arg8[%swap3A_711], %select_n3A_709 {strides = array<i32>} : memref<16xf32, #tpu.memory_space<vmem>>, vector<16xf32>,
    %swap3A_713 = arith.constant 0 : index
    %swap3A_714 = tpu.vector_load %arg9[%swap3A_713] {strides = array<i32>} : memref<16xi32, #tpu.memory_space<vmem>>, vector<16xi32>,
    tpu.vector_store %arg9[%swap3A_713], %select_n3A_710 {strides = array<i32>} : memref<16xi32, #tpu.memory_space<vmem>>, vector<16xi32>,
    %xor3A_715 = arith.constant 8 : i32
    %xor3A_716 = vector.broadcast %xor3A_715 : i32 to vector<16xi32>
    %xor3A_717 = arith.xori %iota3A, %xor3A_716 : vector<16xi32>
    %gather3A_718 = tpu.vector_load_idx %arg8[%xor3A_717] : memref<16xf32, #tpu.memory_space<vmem>>[vector<16xi32>], vector<16xf32>,
    %gather3A_719 = tpu.vector_load_idx %arg9[%xor3A_717] : memref<16xi32, #tpu.memory_space<vmem>>[vector<16xi32>], vector<16xi32>,
    %gt3A_720 = arith.cmpf ogt, %gather3A_718, %select_n3A_709 : vector<16xf32>
    %eq3A_721 = arith.cmpf oeq, %gather3A_718, %select_n3A_709 : vector<16xf32>
    %lt3A_722 = arith.cmpi slt, %gather3A_719, %select_n3A_710 : vector<16xi32>
    %and3A_723 = arith.andi %eq3A_721, %lt3A_722 : vector<16xi1>
    %or3A_724 = arith.ori %gt3A_720, %and3A_723 : vector<16xi1>
    %select_n3A_725 = arith.select %or3A_724, %gather3A_718, %select_n3A_709 : vector<16xi1>, vector<16xf32>
    %select_n3A_726 = arith.select %or3A_724, %gather3A_719, %select_n3A_710 : vector<16xi1>, vector<16xi32>
    %swap3A_727 = arith.constant 0 : index
    %swap3A_728 = tpu.vector_load %arg8[%swap3A_727] {strides = array<i32>} : memref<16xf32, #tpu.memory_space<vmem>>, vector<16xf32>,
    tpu.vector_store %arg8[%swap3A_727], %select_n3A_725 {strides = array<i32>} : memref<16xf32, #tpu.memory_space<vmem>>, vector<16xf32>,
    %swap3A_729 = arith.constant 0 : index
    %swap3A_730 = tpu.vector_load %arg9[%swap3A_729] {strides = array<i32>} : memref<16xi32, #tpu.memory_space<vmem>>, vector<16xi32>,
    tpu.vector_store %arg9[%swap3A_729], %select_n3A_726 {strides = array<i32>} : memref<16xi32, #tpu.memory_space<vmem>>, vector<16xi32>,
    %xor3A_731 = arith.constant 4 : i32
    %xor3A_732 = vector.broadcast %xor3A_731 : i32 to vector<16xi32>
    %xor3A_733 = arith.xori %iota3A, %xor3A_732 : vector<16xi32>
    %gather3A_734 = tpu.vector_load_idx %arg8[%xor3A_733] : memref<16xf32, #tpu.memory_space<vmem>>[vector<16xi32>], vector<16xf32>,
    %gather3A_735 = tpu.vector_load_idx %arg9[%xor3A_733] : memref<16xi32, #tpu.memory_space<vmem>>[vector<16xi32>], vector<16xi32>,
    %gt3A_736 = arith.cmpf ogt, %gather3A_734, %select_n3A_725 : vector<16xf32>
    %eq3A_737 = arith.cmpf oeq, %gather3A_734, %select_n3A_725 : vector<16xf32>
    %lt3A_738 = arith.cmpi slt, %gather3A_735, %select_n3A_726 : vector<16xi32>
    %and3A_739 = arith.andi %eq3A_737, %lt3A_738 : vector<16xi1>
    %or3A_740 = arith.ori %gt3A_736, %and3A_739 : vector<16xi1>
    %select_n3A_741 = arith.select %or3A_740, %gather3A_734, %select_n3A_725 : vector<16xi1>, vector<16xf32>
    %select_n3A_742 = arith.select %or3A_740, %gather3A_735, %select_n3A_726 : vector<16xi1>, vector<16xi32>
    %swap3A_743 = arith.constant 0 : index
    %swap3A_744 = tpu.vector_load %arg8[%swap3A_743] {strides = array<i32>} : memref<16xf32, #tpu.memory_space<vmem>>, vector<16xf32>,
    tpu.vector_store %arg8[%swap3A_743], %select_n3A_741 {strides = array<i32>} : memref<16xf32, #tpu.memory_space<vmem>>, vector<16xf32>,
    %swap3A_745 = arith.constant 0 : index
    %swap3A_746 = tpu.vector_load %arg9[%swap3A_745] {strides = array<i32>} : memref<16xi32, #tpu.memory_space<vmem>>, vector<16xi32>,
    tpu.vector_store %arg9[%swap3A_745], %select_n3A_742 {strides = array<i32>} : memref<16xi32, #tpu.memory_space<vmem>>, vector<16xi32>,
    %xor3A_747 = arith.constant 2 : i32
    %xor3A_748 = vector.broadcast %xor3A_747 : i32 to vector<16xi32>
    %xor3A_749 = arith.xori %iota3A, %xor3A_748 : vector<16xi32>
    %gather3A_750 = tpu.vector_load_idx %arg8[%xor3A_749] : memref<16xf32, #tpu.memory_space<vmem>>[vector<16xi32>], vector<16xf32>,
    %gather3A_751 = tpu.vector_load_idx %arg9[%xor3A_749] : memref<16xi32, #tpu.memory_space<vmem>>[vector<16xi32>], vector<16xi32>,
    %gt3A_752 = arith.cmpf ogt, %gather3A_750, %select_n3A_741 : vector<16xf32>
    %eq3A_753 = arith.cmpf oeq, %gather3A_750, %select_n3A_741 : vector<16xf32>
    %lt3A_754 = arith.cmpi slt, %gather3A_751, %select_n3A_742 : vector<16xi32>
    %and3A_755 = arith.andi %eq3A_753, %lt3A_754 : vector<16xi1>
    %or3A_756 = arith.ori %gt3A_752, %and3A_755 : vector<16xi1>
    %select_n3A_757 = arith.select %or3A_756, %gather3A_750, %select_n3A_741 : vector<16xi1>, vector<16xf32>
    %select_n3A_758 = arith.select %or3A_756, %gather3A_751, %select_n3A_742 : vector<16xi1>, vector<16xi32>
    %swap3A_759 = arith.constant 0 : index
    %swap3A_760 = tpu.vector_load %arg8[%swap3A_759] {strides = array<i32>} : memref<16xf32, #tpu.memory_space<vmem>>, vector<16xf32>,
    tpu.vector_store %arg8[%swap3A_759], %select_n3A_757 {strides = array<i32>} : memref<16xf32, #tpu.memory_space<vmem>>, vector<16xf32>,
    %swap3A_761 = arith.constant 0 : index
    %swap3A_762 = tpu.vector_load %arg9[%swap3A_761] {strides = array<i32>} : memref<16xi32, #tpu.memory_space<vmem>>, vector<16xi32>,
    tpu.vector_store %arg9[%swap3A_761], %select_n3A_758 {strides = array<i32>} : memref<16xi32, #tpu.memory_space<vmem>>, vector<16xi32>,
    %xor3A_763 = arith.constant 1 : i32
    %xor3A_764 = vector.broadcast %xor3A_763 : i32 to vector<16xi32>
    %xor3A_765 = arith.xori %iota3A, %xor3A_764 : vector<16xi32>
    %gather3A_766 = tpu.vector_load_idx %arg8[%xor3A_765] : memref<16xf32, #tpu.memory_space<vmem>>[vector<16xi32>], vector<16xf32>,
    %gather3A_767 = tpu.vector_load_idx %arg9[%xor3A_765] : memref<16xi32, #tpu.memory_space<vmem>>[vector<16xi32>], vector<16xi32>,
    %gt3A_768 = arith.cmpf ogt, %gather3A_766, %select_n3A_757 : vector<16xf32>
    %eq3A_769 = arith.cmpf oeq, %gather3A_766, %select_n3A_757 : vector<16xf32>
    %lt3A_770 = arith.cmpi slt, %gather3A_767, %select_n3A_758 : vector<16xi32>
    %and3A_771 = arith.andi %eq3A_769, %lt3A_770 : vector<16xi1>
    %or3A_772 = arith.ori %gt3A_768, %and3A_771 : vector<16xi1>
    %select_n3A_773 = arith.select %or3A_772, %gather3A_766, %select_n3A_757 : vector<16xi1>, vector<16xf32>
    %select_n3A_774 = arith.select %or3A_772, %gather3A_767, %select_n3A_758 : vector<16xi1>, vector<16xi32>
    %add3A_775 = arith.constant 4 : i32
    %add3A_776 = arith.addi %mul3A_2, %add3A_775 : i32
    %div3A_777 = arith.constant 128 : i32
    %div3A_778 = arith.divsi %add3A_776, %div3A_777 : i32
    %mul3A_779 = arith.constant 128 : i32
    %mul3A_780 = arith.muli %div3A_778, %mul3A_779 : i32
    %sub3A_781 = arith.subi %add3A_776, %mul3A_780 : i32
    %div3A_782 = arith.constant 8 : i32
    %div3A_783 = vector.broadcast %div3A_782 : i32 to vector<16xi32>
    %div3A_784 = arith.divsi %select_n3A_774, %div3A_783 : vector<16xi32>
    %mul3A_785 = arith.constant 8 : i32
    %mul3A_786 = vector.broadcast %mul3A_785 : i32 to vector<16xi32>
    %mul3A_787 = arith.muli %div3A_784, %mul3A_786 : vector<16xi32>
    %sub3A_788 = arith.subi %select_n3A_774, %mul3A_787 : vector<16xi32>
    %mul3A_789 = arith.constant 2 : i32
    %mul3A_790 = vector.broadcast %mul3A_789 : i32 to vector<16xi32>
    %mul3A_791 = arith.muli %div3A_784, %mul3A_790 : vector<16xi32>
    %add3A_792 = vector.broadcast %div3A_778 : i32 to vector<16xi32>
    %add3A_793 = arith.addi %mul3A_791, %add3A_792 : vector<16xi32>
    %mul3A_794 = arith.constant 1024 : i32
    %mul3A_795 = vector.broadcast %mul3A_794 : i32 to vector<16xi32>
    %mul3A_796 = arith.muli %add3A_793, %mul3A_795 : vector<16xi32>
    %mul3A_797 = arith.constant 128 : i32
    %mul3A_798 = vector.broadcast %mul3A_797 : i32 to vector<16xi32>
    %mul3A_799 = arith.muli %sub3A_788, %mul3A_798 : vector<16xi32>
    %add3A_800 = arith.addi %mul3A_796, %mul3A_799 : vector<16xi32>
    %add3A_801 = vector.broadcast %sub3A_781 : i32 to vector<16xi32>
    %add3A_802 = arith.addi %add3A_800, %add3A_801 : vector<16xi32>
    %add3A_803 = arith.constant 0 : i32
    %add3A_804 = vector.broadcast %add3A_803 : i32 to vector<16xi32>
    %add3A_805 = arith.addi %add3A_804, %iota3A : vector<16xi32>
    %min3A_806 = arith.constant 48 : i32
    %min3A_807 = vector.broadcast %min3A_806 : i32 to vector<16xi32>
    %min3A_808 = arith.minsi %add3A_805, %min3A_807 : vector<16xi32>
    %mul3A_809 = arith.constant 256000 : i32
    %mul3A_810 = vector.broadcast %mul3A_809 : i32 to vector<16xi32>
    %mul3A_811 = arith.muli %min3A_808, %mul3A_810 : vector<16xi32>
    %add3A_812 = arith.addi %add3A_802, %mul3A_811 : vector<16xi32>
    %swap3A_813 = arith.constant 4 : i32
    %swap3A_814 = arith.index_cast %swap3A_813 : i32 to index
    %swap3A_815 = arith.constant 0 : index
    %swap3A_816 = tpu.vector_load %arg6[%swap3A_814, %swap3A_815] {strides = array<i32>} : memref<8x64xi32, #tpu.memory_space<vmem>>, vector<16xi32>,
    tpu.vector_store %arg6[%swap3A_814, %swap3A_815], %add3A_812 {strides = array<i32>} : memref<8x64xi32, #tpu.memory_space<vmem>>, vector<16xi32>,
    %add3A_817 = arith.constant 16 : i32
    %add3A_818 = vector.broadcast %add3A_817 : i32 to vector<16xi32>
    %add3A_819 = arith.addi %add3A_818, %iota3A : vector<16xi32>
    %min3A_820 = arith.constant 48 : i32
    %min3A_821 = vector.broadcast %min3A_820 : i32 to vector<16xi32>
    %min3A_822 = arith.minsi %add3A_819, %min3A_821 : vector<16xi32>
    %mul3A_823 = arith.constant 256000 : i32
    %mul3A_824 = vector.broadcast %mul3A_823 : i32 to vector<16xi32>
    %mul3A_825 = arith.muli %min3A_822, %mul3A_824 : vector<16xi32>
    %add3A_826 = arith.addi %add3A_802, %mul3A_825 : vector<16xi32>
    %swap3A_827 = arith.constant 4 : i32
    %swap3A_828 = arith.index_cast %swap3A_827 : i32 to index
    %swap3A_829 = arith.constant 16 : index
    %swap3A_830 = tpu.vector_load %arg6[%swap3A_828, %swap3A_829] {strides = array<i32>} : memref<8x64xi32, #tpu.memory_space<vmem>>, vector<16xi32>,
    tpu.vector_store %arg6[%swap3A_828, %swap3A_829], %add3A_826 {strides = array<i32>} : memref<8x64xi32, #tpu.memory_space<vmem>>, vector<16xi32>,
    %add3A_831 = arith.constant 32 : i32
    %add3A_832 = vector.broadcast %add3A_831 : i32 to vector<16xi32>
    %add3A_833 = arith.addi %add3A_832, %iota3A : vector<16xi32>
    %min3A_834 = arith.constant 48 : i32
    %min3A_835 = vector.broadcast %min3A_834 : i32 to vector<16xi32>
    %min3A_836 = arith.minsi %add3A_833, %min3A_835 : vector<16xi32>
    %mul3A_837 = arith.constant 256000 : i32
    %mul3A_838 = vector.broadcast %mul3A_837 : i32 to vector<16xi32>
    %mul3A_839 = arith.muli %min3A_836, %mul3A_838 : vector<16xi32>
    %add3A_840 = arith.addi %add3A_802, %mul3A_839 : vector<16xi32>
    %swap3A_841 = arith.constant 4 : i32
    %swap3A_842 = arith.index_cast %swap3A_841 : i32 to index
    %swap3A_843 = arith.constant 32 : index
    %swap3A_844 = tpu.vector_load %arg6[%swap3A_842, %swap3A_843] {strides = array<i32>} : memref<8x64xi32, #tpu.memory_space<vmem>>, vector<16xi32>,
    tpu.vector_store %arg6[%swap3A_842, %swap3A_843], %add3A_840 {strides = array<i32>} : memref<8x64xi32, #tpu.memory_space<vmem>>, vector<16xi32>,
    %add3A_845 = arith.constant 48 : i32
    %add3A_846 = vector.broadcast %add3A_845 : i32 to vector<16xi32>
    %add3A_847 = arith.addi %add3A_846, %iota3A : vector<16xi32>
    %min3A_848 = arith.constant 48 : i32
    %min3A_849 = vector.broadcast %min3A_848 : i32 to vector<16xi32>
    %min3A_850 = arith.minsi %add3A_847, %min3A_849 : vector<16xi32>
    %mul3A_851 = arith.constant 256000 : i32
    %mul3A_852 = vector.broadcast %mul3A_851 : i32 to vector<16xi32>
    %mul3A_853 = arith.muli %min3A_850, %mul3A_852 : vector<16xi32>
    %add3A_854 = arith.addi %add3A_802, %mul3A_853 : vector<16xi32>
    %swap3A_855 = arith.constant 4 : i32
    %swap3A_856 = arith.index_cast %swap3A_855 : i32 to index
    %swap3A_857 = arith.constant 48 : index
    %swap3A_858 = tpu.vector_load %arg6[%swap3A_856, %swap3A_857] {strides = array<i32>} : memref<8x64xi32, #tpu.memory_space<vmem>>, vector<16xi32>,
    tpu.vector_store %arg6[%swap3A_856, %swap3A_857], %add3A_854 {strides = array<i32>} : memref<8x64xi32, #tpu.memory_space<vmem>>, vector<16xi32>,
    %dma_start3A_859 = arith.constant 4 : i32
    %dma_start3A_860 = arith.constant 256 : i32
    %dma_start3A_861 = tpu.memref_slice %arg7[%dma_start3A_860] : memref<512xf32, #tpu.memory_space<vmem>> -> memref<64xf32, #tpu.memory_space<vmem>>
    %dma_start3A_862 = arith.constant 0 : i32
    %dma_start3A_863 = tpu.memref_slice %arg6[%dma_start3A_859, %dma_start3A_862] : memref<8x64xi32, #tpu.memory_space<vmem>> -> memref<1x64xi32, #tpu.memory_space<vmem>>
    %dma_start3A_864 = tpu.memref_squeeze %dma_start3A_863 : memref<1x64xi32, #tpu.memory_space<vmem>> -> memref<64xi32, #tpu.memory_space<vmem>>
    %dma_start3A_865 = arith.constant 0 : i32
    %dma_start3A_866 = tpu.memref_slice %arg3[%dma_start3A_865] : memref<12544000xf32, #tpu.memory_space<hbm>> -> memref<12544000xf32, #tpu.memory_space<hbm>>
    tpu.enqueue_indirect_dma source(%dma_start3A_866 : memref<12544000xf32, #tpu.memory_space<hbm>>) target(%dma_start3A_861 : memref<64xf32, #tpu.memory_space<vmem>>) offsets(%dma_start3A_864 : memref<64xi32, #tpu.memory_space<vmem>>) semaphore(%arg10 : memref<!tpu.dma_semaphore, #tpu.memory_space<semaphore_mem>>)
    %broadcast_in_dim3A_867 = arith.constant 0xFF800000 : f32
    %broadcast_in_dim3A_868 = vector.broadcast %broadcast_in_dim3A_867 : f32 to vector<16xf32>
    %broadcast_in_dim3A_869 = arith.constant 0 : i32
    %broadcast_in_dim3A_870 = vector.broadcast %broadcast_in_dim3A_869 : i32 to vector<16xi32>
    %scan3A_871 = arith.constant 0 : i32
    %scan3A_872 = arith.constant 62 : i32
    %scan3A_873 = arith.addi %scan3A_871, %scan3A_872 : i32
    %scan3A_874 = arith.constant 1 : i32
    %scan3A_875:2 = scf.for %scan3A_1460 = %scan3A_871 to %scan3A_873 step %scan3A_874 iter_args(%scan3A_1461 = %broadcast_in_dim3A_868, %scan3A_1462 = %broadcast_in_dim3A_870) -> (vector<16xf32>, vector<16xi32>)  : i32 {
      %mul3A_1463 = arith.constant 16 : i32
      %mul3A_1464 = arith.muli %scan3A_1460, %mul3A_1463 : i32
      %get3A_1465 = arith.constant 5 : i32
      %get3A_1466 = arith.index_cast %get3A_1465 : i32 to index
      %get3A_1467 = arith.index_cast %mul3A_1464 : i32 to index
      %get3A_1468 = tpu.vector_load %arg5[%get3A_1466, %get3A_1467] {strides = array<i32>} : memref<8x1000xf32, #tpu.memory_space<vmem>>, vector<16xf32>,
      %mul3A_1469 = arith.constant 16 : i32
      %mul3A_1470 = arith.muli %scan3A_1460, %mul3A_1469 : i32
      %add3A_1471 = vector.broadcast %mul3A_1470 : i32 to vector<16xi32>
      %add3A_1472 = arith.addi %add3A_1471, %iota3A : vector<16xi32>
      %gt3A_1473 = arith.cmpf ogt, %get3A_1468, %scan3A_1461 : vector<16xf32>
      %select_n3A_1474 = arith.select %gt3A_1473, %get3A_1468, %scan3A_1461 : vector<16xi1>, vector<16xf32>
      %select_n3A_1475 = arith.select %gt3A_1473, %add3A_1472, %scan3A_1462 : vector<16xi1>, vector<16xi32>
      scf.yield %select_n3A_1474, %select_n3A_1475 : vector<16xf32>, vector<16xi32>
    }
    %scan3A_876 = arith.constant 62 : i32
    %get3A_877 = arith.constant 5 : i32
    %get3A_878 = arith.index_cast %get3A_877 : i32 to index
    %get3A_879 = arith.constant 984 : index
    %get3A_880 = tpu.vector_load %arg5[%get3A_878, %get3A_879] {strides = array<i32>} : memref<8x1000xf32, #tpu.memory_space<vmem>>, vector<16xf32>,
    %add3A_881 = arith.constant 984 : i32
    %add3A_882 = vector.broadcast %add3A_881 : i32 to vector<16xi32>
    %add3A_883 = arith.addi %add3A_882, %iota3A : vector<16xi32>
    %gt3A_884 = arith.cmpf ogt, %get3A_880, %scan3A_875#0 : vector<16xf32>
    %select_n3A_885 = arith.select %gt3A_884, %get3A_880, %scan3A_875#0 : vector<16xi1>, vector<16xf32>
    %select_n3A_886 = arith.select %gt3A_884, %add3A_883, %scan3A_875#1 : vector<16xi1>, vector<16xi32>
    %swap3A_887 = arith.constant 0 : index
    %swap3A_888 = tpu.vector_load %arg8[%swap3A_887] {strides = array<i32>} : memref<16xf32, #tpu.memory_space<vmem>>, vector<16xf32>,
    tpu.vector_store %arg8[%swap3A_887], %select_n3A_885 {strides = array<i32>} : memref<16xf32, #tpu.memory_space<vmem>>, vector<16xf32>,
    %swap3A_889 = arith.constant 0 : index
    %swap3A_890 = tpu.vector_load %arg9[%swap3A_889] {strides = array<i32>} : memref<16xi32, #tpu.memory_space<vmem>>, vector<16xi32>,
    tpu.vector_store %arg9[%swap3A_889], %select_n3A_886 {strides = array<i32>} : memref<16xi32, #tpu.memory_space<vmem>>, vector<16xi32>,
    %xor3A_891 = arith.constant 8 : i32
    %xor3A_892 = vector.broadcast %xor3A_891 : i32 to vector<16xi32>
    %xor3A_893 = arith.xori %iota3A, %xor3A_892 : vector<16xi32>
    %gather3A_894 = tpu.vector_load_idx %arg8[%xor3A_893] : memref<16xf32, #tpu.memory_space<vmem>>[vector<16xi32>], vector<16xf32>,
    %gather3A_895 = tpu.vector_load_idx %arg9[%xor3A_893] : memref<16xi32, #tpu.memory_space<vmem>>[vector<16xi32>], vector<16xi32>,
    %gt3A_896 = arith.cmpf ogt, %gather3A_894, %select_n3A_885 : vector<16xf32>
    %eq3A_897 = arith.cmpf oeq, %gather3A_894, %select_n3A_885 : vector<16xf32>
    %lt3A_898 = arith.cmpi slt, %gather3A_895, %select_n3A_886 : vector<16xi32>
    %and3A_899 = arith.andi %eq3A_897, %lt3A_898 : vector<16xi1>
    %or3A_900 = arith.ori %gt3A_896, %and3A_899 : vector<16xi1>
    %select_n3A_901 = arith.select %or3A_900, %gather3A_894, %select_n3A_885 : vector<16xi1>, vector<16xf32>
    %select_n3A_902 = arith.select %or3A_900, %gather3A_895, %select_n3A_886 : vector<16xi1>, vector<16xi32>
    %swap3A_903 = arith.constant 0 : index
    %swap3A_904 = tpu.vector_load %arg8[%swap3A_903] {strides = array<i32>} : memref<16xf32, #tpu.memory_space<vmem>>, vector<16xf32>,
    tpu.vector_store %arg8[%swap3A_903], %select_n3A_901 {strides = array<i32>} : memref<16xf32, #tpu.memory_space<vmem>>, vector<16xf32>,
    %swap3A_905 = arith.constant 0 : index
    %swap3A_906 = tpu.vector_load %arg9[%swap3A_905] {strides = array<i32>} : memref<16xi32, #tpu.memory_space<vmem>>, vector<16xi32>,
    tpu.vector_store %arg9[%swap3A_905], %select_n3A_902 {strides = array<i32>} : memref<16xi32, #tpu.memory_space<vmem>>, vector<16xi32>,
    %xor3A_907 = arith.constant 4 : i32
    %xor3A_908 = vector.broadcast %xor3A_907 : i32 to vector<16xi32>
    %xor3A_909 = arith.xori %iota3A, %xor3A_908 : vector<16xi32>
    %gather3A_910 = tpu.vector_load_idx %arg8[%xor3A_909] : memref<16xf32, #tpu.memory_space<vmem>>[vector<16xi32>], vector<16xf32>,
    %gather3A_911 = tpu.vector_load_idx %arg9[%xor3A_909] : memref<16xi32, #tpu.memory_space<vmem>>[vector<16xi32>], vector<16xi32>,
    %gt3A_912 = arith.cmpf ogt, %gather3A_910, %select_n3A_901 : vector<16xf32>
    %eq3A_913 = arith.cmpf oeq, %gather3A_910, %select_n3A_901 : vector<16xf32>
    %lt3A_914 = arith.cmpi slt, %gather3A_911, %select_n3A_902 : vector<16xi32>
    %and3A_915 = arith.andi %eq3A_913, %lt3A_914 : vector<16xi1>
    %or3A_916 = arith.ori %gt3A_912, %and3A_915 : vector<16xi1>
    %select_n3A_917 = arith.select %or3A_916, %gather3A_910, %select_n3A_901 : vector<16xi1>, vector<16xf32>
    %select_n3A_918 = arith.select %or3A_916, %gather3A_911, %select_n3A_902 : vector<16xi1>, vector<16xi32>
    %swap3A_919 = arith.constant 0 : index
    %swap3A_920 = tpu.vector_load %arg8[%swap3A_919] {strides = array<i32>} : memref<16xf32, #tpu.memory_space<vmem>>, vector<16xf32>,
    tpu.vector_store %arg8[%swap3A_919], %select_n3A_917 {strides = array<i32>} : memref<16xf32, #tpu.memory_space<vmem>>, vector<16xf32>,
    %swap3A_921 = arith.constant 0 : index
    %swap3A_922 = tpu.vector_load %arg9[%swap3A_921] {strides = array<i32>} : memref<16xi32, #tpu.memory_space<vmem>>, vector<16xi32>,
    tpu.vector_store %arg9[%swap3A_921], %select_n3A_918 {strides = array<i32>} : memref<16xi32, #tpu.memory_space<vmem>>, vector<16xi32>,
    %xor3A_923 = arith.constant 2 : i32
    %xor3A_924 = vector.broadcast %xor3A_923 : i32 to vector<16xi32>
    %xor3A_925 = arith.xori %iota3A, %xor3A_924 : vector<16xi32>
    %gather3A_926 = tpu.vector_load_idx %arg8[%xor3A_925] : memref<16xf32, #tpu.memory_space<vmem>>[vector<16xi32>], vector<16xf32>,
    %gather3A_927 = tpu.vector_load_idx %arg9[%xor3A_925] : memref<16xi32, #tpu.memory_space<vmem>>[vector<16xi32>], vector<16xi32>,
    %gt3A_928 = arith.cmpf ogt, %gather3A_926, %select_n3A_917 : vector<16xf32>
    %eq3A_929 = arith.cmpf oeq, %gather3A_926, %select_n3A_917 : vector<16xf32>
    %lt3A_930 = arith.cmpi slt, %gather3A_927, %select_n3A_918 : vector<16xi32>
    %and3A_931 = arith.andi %eq3A_929, %lt3A_930 : vector<16xi1>
    %or3A_932 = arith.ori %gt3A_928, %and3A_931 : vector<16xi1>
    %select_n3A_933 = arith.select %or3A_932, %gather3A_926, %select_n3A_917 : vector<16xi1>, vector<16xf32>
    %select_n3A_934 = arith.select %or3A_932, %gather3A_927, %select_n3A_918 : vector<16xi1>, vector<16xi32>
    %swap3A_935 = arith.constant 0 : index
    %swap3A_936 = tpu.vector_load %arg8[%swap3A_935] {strides = array<i32>} : memref<16xf32, #tpu.memory_space<vmem>>, vector<16xf32>,
    tpu.vector_store %arg8[%swap3A_935], %select_n3A_933 {strides = array<i32>} : memref<16xf32, #tpu.memory_space<vmem>>, vector<16xf32>,
    %swap3A_937 = arith.constant 0 : index
    %swap3A_938 = tpu.vector_load %arg9[%swap3A_937] {strides = array<i32>} : memref<16xi32, #tpu.memory_space<vmem>>, vector<16xi32>,
    tpu.vector_store %arg9[%swap3A_937], %select_n3A_934 {strides = array<i32>} : memref<16xi32, #tpu.memory_space<vmem>>, vector<16xi32>,
    %xor3A_939 = arith.constant 1 : i32
    %xor3A_940 = vector.broadcast %xor3A_939 : i32 to vector<16xi32>
    %xor3A_941 = arith.xori %iota3A, %xor3A_940 : vector<16xi32>
    %gather3A_942 = tpu.vector_load_idx %arg8[%xor3A_941] : memref<16xf32, #tpu.memory_space<vmem>>[vector<16xi32>], vector<16xf32>,
    %gather3A_943 = tpu.vector_load_idx %arg9[%xor3A_941] : memref<16xi32, #tpu.memory_space<vmem>>[vector<16xi32>], vector<16xi32>,
    %gt3A_944 = arith.cmpf ogt, %gather3A_942, %select_n3A_933 : vector<16xf32>
    %eq3A_945 = arith.cmpf oeq, %gather3A_942, %select_n3A_933 : vector<16xf32>
    %lt3A_946 = arith.cmpi slt, %gather3A_943, %select_n3A_934 : vector<16xi32>
    %and3A_947 = arith.andi %eq3A_945, %lt3A_946 : vector<16xi1>
    %or3A_948 = arith.ori %gt3A_944, %and3A_947 : vector<16xi1>
    %select_n3A_949 = arith.select %or3A_948, %gather3A_942, %select_n3A_933 : vector<16xi1>, vector<16xf32>
    %select_n3A_950 = arith.select %or3A_948, %gather3A_943, %select_n3A_934 : vector<16xi1>, vector<16xi32>
    %add3A_951 = arith.constant 5 : i32
    %add3A_952 = arith.addi %mul3A_2, %add3A_951 : i32
    %div3A_953 = arith.constant 128 : i32
    %div3A_954 = arith.divsi %add3A_952, %div3A_953 : i32
    %mul3A_955 = arith.constant 128 : i32
    %mul3A_956 = arith.muli %div3A_954, %mul3A_955 : i32
    %sub3A_957 = arith.subi %add3A_952, %mul3A_956 : i32
    %div3A_958 = arith.constant 8 : i32
    %div3A_959 = vector.broadcast %div3A_958 : i32 to vector<16xi32>
    %div3A_960 = arith.divsi %select_n3A_950, %div3A_959 : vector<16xi32>
    %mul3A_961 = arith.constant 8 : i32
    %mul3A_962 = vector.broadcast %mul3A_961 : i32 to vector<16xi32>
    %mul3A_963 = arith.muli %div3A_960, %mul3A_962 : vector<16xi32>
    %sub3A_964 = arith.subi %select_n3A_950, %mul3A_963 : vector<16xi32>
    %mul3A_965 = arith.constant 2 : i32
    %mul3A_966 = vector.broadcast %mul3A_965 : i32 to vector<16xi32>
    %mul3A_967 = arith.muli %div3A_960, %mul3A_966 : vector<16xi32>
    %add3A_968 = vector.broadcast %div3A_954 : i32 to vector<16xi32>
    %add3A_969 = arith.addi %mul3A_967, %add3A_968 : vector<16xi32>
    %mul3A_970 = arith.constant 1024 : i32
    %mul3A_971 = vector.broadcast %mul3A_970 : i32 to vector<16xi32>
    %mul3A_972 = arith.muli %add3A_969, %mul3A_971 : vector<16xi32>
    %mul3A_973 = arith.constant 128 : i32
    %mul3A_974 = vector.broadcast %mul3A_973 : i32 to vector<16xi32>
    %mul3A_975 = arith.muli %sub3A_964, %mul3A_974 : vector<16xi32>
    %add3A_976 = arith.addi %mul3A_972, %mul3A_975 : vector<16xi32>
    %add3A_977 = vector.broadcast %sub3A_957 : i32 to vector<16xi32>
    %add3A_978 = arith.addi %add3A_976, %add3A_977 : vector<16xi32>
    %add3A_979 = arith.constant 0 : i32
    %add3A_980 = vector.broadcast %add3A_979 : i32 to vector<16xi32>
    %add3A_981 = arith.addi %add3A_980, %iota3A : vector<16xi32>
    %min3A_982 = arith.constant 48 : i32
    %min3A_983 = vector.broadcast %min3A_982 : i32 to vector<16xi32>
    %min3A_984 = arith.minsi %add3A_981, %min3A_983 : vector<16xi32>
    %mul3A_985 = arith.constant 256000 : i32
    %mul3A_986 = vector.broadcast %mul3A_985 : i32 to vector<16xi32>
    %mul3A_987 = arith.muli %min3A_984, %mul3A_986 : vector<16xi32>
    %add3A_988 = arith.addi %add3A_978, %mul3A_987 : vector<16xi32>
    %swap3A_989 = arith.constant 5 : i32
    %swap3A_990 = arith.index_cast %swap3A_989 : i32 to index
    %swap3A_991 = arith.constant 0 : index
    %swap3A_992 = tpu.vector_load %arg6[%swap3A_990, %swap3A_991] {strides = array<i32>} : memref<8x64xi32, #tpu.memory_space<vmem>>, vector<16xi32>,
    tpu.vector_store %arg6[%swap3A_990, %swap3A_991], %add3A_988 {strides = array<i32>} : memref<8x64xi32, #tpu.memory_space<vmem>>, vector<16xi32>,
    %add3A_993 = arith.constant 16 : i32
    %add3A_994 = vector.broadcast %add3A_993 : i32 to vector<16xi32>
    %add3A_995 = arith.addi %add3A_994, %iota3A : vector<16xi32>
    %min3A_996 = arith.constant 48 : i32
    %min3A_997 = vector.broadcast %min3A_996 : i32 to vector<16xi32>
    %min3A_998 = arith.minsi %add3A_995, %min3A_997 : vector<16xi32>
    %mul3A_999 = arith.constant 256000 : i32
    %mul3A_1000 = vector.broadcast %mul3A_999 : i32 to vector<16xi32>
    %mul3A_1001 = arith.muli %min3A_998, %mul3A_1000 : vector<16xi32>
    %add3A_1002 = arith.addi %add3A_978, %mul3A_1001 : vector<16xi32>
    %swap3A_1003 = arith.constant 5 : i32
    %swap3A_1004 = arith.index_cast %swap3A_1003 : i32 to index
    %swap3A_1005 = arith.constant 16 : index
    %swap3A_1006 = tpu.vector_load %arg6[%swap3A_1004, %swap3A_1005] {strides = array<i32>} : memref<8x64xi32, #tpu.memory_space<vmem>>, vector<16xi32>,
    tpu.vector_store %arg6[%swap3A_1004, %swap3A_1005], %add3A_1002 {strides = array<i32>} : memref<8x64xi32, #tpu.memory_space<vmem>>, vector<16xi32>,
    %add3A_1007 = arith.constant 32 : i32
    %add3A_1008 = vector.broadcast %add3A_1007 : i32 to vector<16xi32>
    %add3A_1009 = arith.addi %add3A_1008, %iota3A : vector<16xi32>
    %min3A_1010 = arith.constant 48 : i32
    %min3A_1011 = vector.broadcast %min3A_1010 : i32 to vector<16xi32>
    %min3A_1012 = arith.minsi %add3A_1009, %min3A_1011 : vector<16xi32>
    %mul3A_1013 = arith.constant 256000 : i32
    %mul3A_1014 = vector.broadcast %mul3A_1013 : i32 to vector<16xi32>
    %mul3A_1015 = arith.muli %min3A_1012, %mul3A_1014 : vector<16xi32>
    %add3A_1016 = arith.addi %add3A_978, %mul3A_1015 : vector<16xi32>
    %swap3A_1017 = arith.constant 5 : i32
    %swap3A_1018 = arith.index_cast %swap3A_1017 : i32 to index
    %swap3A_1019 = arith.constant 32 : index
    %swap3A_1020 = tpu.vector_load %arg6[%swap3A_1018, %swap3A_1019] {strides = array<i32>} : memref<8x64xi32, #tpu.memory_space<vmem>>, vector<16xi32>,
    tpu.vector_store %arg6[%swap3A_1018, %swap3A_1019], %add3A_1016 {strides = array<i32>} : memref<8x64xi32, #tpu.memory_space<vmem>>, vector<16xi32>,
    %add3A_1021 = arith.constant 48 : i32
    %add3A_1022 = vector.broadcast %add3A_1021 : i32 to vector<16xi32>
    %add3A_1023 = arith.addi %add3A_1022, %iota3A : vector<16xi32>
    %min3A_1024 = arith.constant 48 : i32
    %min3A_1025 = vector.broadcast %min3A_1024 : i32 to vector<16xi32>
    %min3A_1026 = arith.minsi %add3A_1023, %min3A_1025 : vector<16xi32>
    %mul3A_1027 = arith.constant 256000 : i32
    %mul3A_1028 = vector.broadcast %mul3A_1027 : i32 to vector<16xi32>
    %mul3A_1029 = arith.muli %min3A_1026, %mul3A_1028 : vector<16xi32>
    %add3A_1030 = arith.addi %add3A_978, %mul3A_1029 : vector<16xi32>
    %swap3A_1031 = arith.constant 5 : i32
    %swap3A_1032 = arith.index_cast %swap3A_1031 : i32 to index
    %swap3A_1033 = arith.constant 48 : index
    %swap3A_1034 = tpu.vector_load %arg6[%swap3A_1032, %swap3A_1033] {strides = array<i32>} : memref<8x64xi32, #tpu.memory_space<vmem>>, vector<16xi32>,
    tpu.vector_store %arg6[%swap3A_1032, %swap3A_1033], %add3A_1030 {strides = array<i32>} : memref<8x64xi32, #tpu.memory_space<vmem>>, vector<16xi32>,
    %dma_start3A_1035 = arith.constant 5 : i32
    %dma_start3A_1036 = arith.constant 320 : i32
    %dma_start3A_1037 = tpu.memref_slice %arg7[%dma_start3A_1036] : memref<512xf32, #tpu.memory_space<vmem>> -> memref<64xf32, #tpu.memory_space<vmem>>
    %dma_start3A_1038 = arith.constant 0 : i32
    %dma_start3A_1039 = tpu.memref_slice %arg6[%dma_start3A_1035, %dma_start3A_1038] : memref<8x64xi32, #tpu.memory_space<vmem>> -> memref<1x64xi32, #tpu.memory_space<vmem>>
    %dma_start3A_1040 = tpu.memref_squeeze %dma_start3A_1039 : memref<1x64xi32, #tpu.memory_space<vmem>> -> memref<64xi32, #tpu.memory_space<vmem>>
    %dma_start3A_1041 = arith.constant 0 : i32
    %dma_start3A_1042 = tpu.memref_slice %arg3[%dma_start3A_1041] : memref<12544000xf32, #tpu.memory_space<hbm>> -> memref<12544000xf32, #tpu.memory_space<hbm>>
    tpu.enqueue_indirect_dma source(%dma_start3A_1042 : memref<12544000xf32, #tpu.memory_space<hbm>>) target(%dma_start3A_1037 : memref<64xf32, #tpu.memory_space<vmem>>) offsets(%dma_start3A_1040 : memref<64xi32, #tpu.memory_space<vmem>>) semaphore(%arg10 : memref<!tpu.dma_semaphore, #tpu.memory_space<semaphore_mem>>)
    %broadcast_in_dim3A_1043 = arith.constant 0xFF800000 : f32
    %broadcast_in_dim3A_1044 = vector.broadcast %broadcast_in_dim3A_1043 : f32 to vector<16xf32>
    %broadcast_in_dim3A_1045 = arith.constant 0 : i32
    %broadcast_in_dim3A_1046 = vector.broadcast %broadcast_in_dim3A_1045 : i32 to vector<16xi32>
    %scan3A_1047 = arith.constant 0 : i32
    %scan3A_1048 = arith.constant 62 : i32
    %scan3A_1049 = arith.addi %scan3A_1047, %scan3A_1048 : i32
    %scan3A_1050 = arith.constant 1 : i32
    %scan3A_1051:2 = scf.for %scan3A_1460 = %scan3A_1047 to %scan3A_1049 step %scan3A_1050 iter_args(%scan3A_1461 = %broadcast_in_dim3A_1044, %scan3A_1462 = %broadcast_in_dim3A_1046) -> (vector<16xf32>, vector<16xi32>)  : i32 {
      %mul3A_1463 = arith.constant 16 : i32
      %mul3A_1464 = arith.muli %scan3A_1460, %mul3A_1463 : i32
      %get3A_1465 = arith.constant 6 : i32
      %get3A_1466 = arith.index_cast %get3A_1465 : i32 to index
      %get3A_1467 = arith.index_cast %mul3A_1464 : i32 to index
      %get3A_1468 = tpu.vector_load %arg5[%get3A_1466, %get3A_1467] {strides = array<i32>} : memref<8x1000xf32, #tpu.memory_space<vmem>>, vector<16xf32>,
      %mul3A_1469 = arith.constant 16 : i32
      %mul3A_1470 = arith.muli %scan3A_1460, %mul3A_1469 : i32
      %add3A_1471 = vector.broadcast %mul3A_1470 : i32 to vector<16xi32>
      %add3A_1472 = arith.addi %add3A_1471, %iota3A : vector<16xi32>
      %gt3A_1473 = arith.cmpf ogt, %get3A_1468, %scan3A_1461 : vector<16xf32>
      %select_n3A_1474 = arith.select %gt3A_1473, %get3A_1468, %scan3A_1461 : vector<16xi1>, vector<16xf32>
      %select_n3A_1475 = arith.select %gt3A_1473, %add3A_1472, %scan3A_1462 : vector<16xi1>, vector<16xi32>
      scf.yield %select_n3A_1474, %select_n3A_1475 : vector<16xf32>, vector<16xi32>
    }
    %scan3A_1052 = arith.constant 62 : i32
    %get3A_1053 = arith.constant 6 : i32
    %get3A_1054 = arith.index_cast %get3A_1053 : i32 to index
    %get3A_1055 = arith.constant 984 : index
    %get3A_1056 = tpu.vector_load %arg5[%get3A_1054, %get3A_1055] {strides = array<i32>} : memref<8x1000xf32, #tpu.memory_space<vmem>>, vector<16xf32>,
    %add3A_1057 = arith.constant 984 : i32
    %add3A_1058 = vector.broadcast %add3A_1057 : i32 to vector<16xi32>
    %add3A_1059 = arith.addi %add3A_1058, %iota3A : vector<16xi32>
    %gt3A_1060 = arith.cmpf ogt, %get3A_1056, %scan3A_1051#0 : vector<16xf32>
    %select_n3A_1061 = arith.select %gt3A_1060, %get3A_1056, %scan3A_1051#0 : vector<16xi1>, vector<16xf32>
    %select_n3A_1062 = arith.select %gt3A_1060, %add3A_1059, %scan3A_1051#1 : vector<16xi1>, vector<16xi32>
    %swap3A_1063 = arith.constant 0 : index
    %swap3A_1064 = tpu.vector_load %arg8[%swap3A_1063] {strides = array<i32>} : memref<16xf32, #tpu.memory_space<vmem>>, vector<16xf32>,
    tpu.vector_store %arg8[%swap3A_1063], %select_n3A_1061 {strides = array<i32>} : memref<16xf32, #tpu.memory_space<vmem>>, vector<16xf32>,
    %swap3A_1065 = arith.constant 0 : index
    %swap3A_1066 = tpu.vector_load %arg9[%swap3A_1065] {strides = array<i32>} : memref<16xi32, #tpu.memory_space<vmem>>, vector<16xi32>,
    tpu.vector_store %arg9[%swap3A_1065], %select_n3A_1062 {strides = array<i32>} : memref<16xi32, #tpu.memory_space<vmem>>, vector<16xi32>,
    %xor3A_1067 = arith.constant 8 : i32
    %xor3A_1068 = vector.broadcast %xor3A_1067 : i32 to vector<16xi32>
    %xor3A_1069 = arith.xori %iota3A, %xor3A_1068 : vector<16xi32>
    %gather3A_1070 = tpu.vector_load_idx %arg8[%xor3A_1069] : memref<16xf32, #tpu.memory_space<vmem>>[vector<16xi32>], vector<16xf32>,
    %gather3A_1071 = tpu.vector_load_idx %arg9[%xor3A_1069] : memref<16xi32, #tpu.memory_space<vmem>>[vector<16xi32>], vector<16xi32>,
    %gt3A_1072 = arith.cmpf ogt, %gather3A_1070, %select_n3A_1061 : vector<16xf32>
    %eq3A_1073 = arith.cmpf oeq, %gather3A_1070, %select_n3A_1061 : vector<16xf32>
    %lt3A_1074 = arith.cmpi slt, %gather3A_1071, %select_n3A_1062 : vector<16xi32>
    %and3A_1075 = arith.andi %eq3A_1073, %lt3A_1074 : vector<16xi1>
    %or3A_1076 = arith.ori %gt3A_1072, %and3A_1075 : vector<16xi1>
    %select_n3A_1077 = arith.select %or3A_1076, %gather3A_1070, %select_n3A_1061 : vector<16xi1>, vector<16xf32>
    %select_n3A_1078 = arith.select %or3A_1076, %gather3A_1071, %select_n3A_1062 : vector<16xi1>, vector<16xi32>
    %swap3A_1079 = arith.constant 0 : index
    %swap3A_1080 = tpu.vector_load %arg8[%swap3A_1079] {strides = array<i32>} : memref<16xf32, #tpu.memory_space<vmem>>, vector<16xf32>,
    tpu.vector_store %arg8[%swap3A_1079], %select_n3A_1077 {strides = array<i32>} : memref<16xf32, #tpu.memory_space<vmem>>, vector<16xf32>,
    %swap3A_1081 = arith.constant 0 : index
    %swap3A_1082 = tpu.vector_load %arg9[%swap3A_1081] {strides = array<i32>} : memref<16xi32, #tpu.memory_space<vmem>>, vector<16xi32>,
    tpu.vector_store %arg9[%swap3A_1081], %select_n3A_1078 {strides = array<i32>} : memref<16xi32, #tpu.memory_space<vmem>>, vector<16xi32>,
    %xor3A_1083 = arith.constant 4 : i32
    %xor3A_1084 = vector.broadcast %xor3A_1083 : i32 to vector<16xi32>
    %xor3A_1085 = arith.xori %iota3A, %xor3A_1084 : vector<16xi32>
    %gather3A_1086 = tpu.vector_load_idx %arg8[%xor3A_1085] : memref<16xf32, #tpu.memory_space<vmem>>[vector<16xi32>], vector<16xf32>,
    %gather3A_1087 = tpu.vector_load_idx %arg9[%xor3A_1085] : memref<16xi32, #tpu.memory_space<vmem>>[vector<16xi32>], vector<16xi32>,
    %gt3A_1088 = arith.cmpf ogt, %gather3A_1086, %select_n3A_1077 : vector<16xf32>
    %eq3A_1089 = arith.cmpf oeq, %gather3A_1086, %select_n3A_1077 : vector<16xf32>
    %lt3A_1090 = arith.cmpi slt, %gather3A_1087, %select_n3A_1078 : vector<16xi32>
    %and3A_1091 = arith.andi %eq3A_1089, %lt3A_1090 : vector<16xi1>
    %or3A_1092 = arith.ori %gt3A_1088, %and3A_1091 : vector<16xi1>
    %select_n3A_1093 = arith.select %or3A_1092, %gather3A_1086, %select_n3A_1077 : vector<16xi1>, vector<16xf32>
    %select_n3A_1094 = arith.select %or3A_1092, %gather3A_1087, %select_n3A_1078 : vector<16xi1>, vector<16xi32>
    %swap3A_1095 = arith.constant 0 : index
    %swap3A_1096 = tpu.vector_load %arg8[%swap3A_1095] {strides = array<i32>} : memref<16xf32, #tpu.memory_space<vmem>>, vector<16xf32>,
    tpu.vector_store %arg8[%swap3A_1095], %select_n3A_1093 {strides = array<i32>} : memref<16xf32, #tpu.memory_space<vmem>>, vector<16xf32>,
    %swap3A_1097 = arith.constant 0 : index
    %swap3A_1098 = tpu.vector_load %arg9[%swap3A_1097] {strides = array<i32>} : memref<16xi32, #tpu.memory_space<vmem>>, vector<16xi32>,
    tpu.vector_store %arg9[%swap3A_1097], %select_n3A_1094 {strides = array<i32>} : memref<16xi32, #tpu.memory_space<vmem>>, vector<16xi32>,
    %xor3A_1099 = arith.constant 2 : i32
    %xor3A_1100 = vector.broadcast %xor3A_1099 : i32 to vector<16xi32>
    %xor3A_1101 = arith.xori %iota3A, %xor3A_1100 : vector<16xi32>
    %gather3A_1102 = tpu.vector_load_idx %arg8[%xor3A_1101] : memref<16xf32, #tpu.memory_space<vmem>>[vector<16xi32>], vector<16xf32>,
    %gather3A_1103 = tpu.vector_load_idx %arg9[%xor3A_1101] : memref<16xi32, #tpu.memory_space<vmem>>[vector<16xi32>], vector<16xi32>,
    %gt3A_1104 = arith.cmpf ogt, %gather3A_1102, %select_n3A_1093 : vector<16xf32>
    %eq3A_1105 = arith.cmpf oeq, %gather3A_1102, %select_n3A_1093 : vector<16xf32>
    %lt3A_1106 = arith.cmpi slt, %gather3A_1103, %select_n3A_1094 : vector<16xi32>
    %and3A_1107 = arith.andi %eq3A_1105, %lt3A_1106 : vector<16xi1>
    %or3A_1108 = arith.ori %gt3A_1104, %and3A_1107 : vector<16xi1>
    %select_n3A_1109 = arith.select %or3A_1108, %gather3A_1102, %select_n3A_1093 : vector<16xi1>, vector<16xf32>
    %select_n3A_1110 = arith.select %or3A_1108, %gather3A_1103, %select_n3A_1094 : vector<16xi1>, vector<16xi32>
    %swap3A_1111 = arith.constant 0 : index
    %swap3A_1112 = tpu.vector_load %arg8[%swap3A_1111] {strides = array<i32>} : memref<16xf32, #tpu.memory_space<vmem>>, vector<16xf32>,
    tpu.vector_store %arg8[%swap3A_1111], %select_n3A_1109 {strides = array<i32>} : memref<16xf32, #tpu.memory_space<vmem>>, vector<16xf32>,
    %swap3A_1113 = arith.constant 0 : index
    %swap3A_1114 = tpu.vector_load %arg9[%swap3A_1113] {strides = array<i32>} : memref<16xi32, #tpu.memory_space<vmem>>, vector<16xi32>,
    tpu.vector_store %arg9[%swap3A_1113], %select_n3A_1110 {strides = array<i32>} : memref<16xi32, #tpu.memory_space<vmem>>, vector<16xi32>,
    %xor3A_1115 = arith.constant 1 : i32
    %xor3A_1116 = vector.broadcast %xor3A_1115 : i32 to vector<16xi32>
    %xor3A_1117 = arith.xori %iota3A, %xor3A_1116 : vector<16xi32>
    %gather3A_1118 = tpu.vector_load_idx %arg8[%xor3A_1117] : memref<16xf32, #tpu.memory_space<vmem>>[vector<16xi32>], vector<16xf32>,
    %gather3A_1119 = tpu.vector_load_idx %arg9[%xor3A_1117] : memref<16xi32, #tpu.memory_space<vmem>>[vector<16xi32>], vector<16xi32>,
    %gt3A_1120 = arith.cmpf ogt, %gather3A_1118, %select_n3A_1109 : vector<16xf32>
    %eq3A_1121 = arith.cmpf oeq, %gather3A_1118, %select_n3A_1109 : vector<16xf32>
    %lt3A_1122 = arith.cmpi slt, %gather3A_1119, %select_n3A_1110 : vector<16xi32>
    %and3A_1123 = arith.andi %eq3A_1121, %lt3A_1122 : vector<16xi1>
    %or3A_1124 = arith.ori %gt3A_1120, %and3A_1123 : vector<16xi1>
    %select_n3A_1125 = arith.select %or3A_1124, %gather3A_1118, %select_n3A_1109 : vector<16xi1>, vector<16xf32>
    %select_n3A_1126 = arith.select %or3A_1124, %gather3A_1119, %select_n3A_1110 : vector<16xi1>, vector<16xi32>
    %add3A_1127 = arith.constant 6 : i32
    %add3A_1128 = arith.addi %mul3A_2, %add3A_1127 : i32
    %div3A_1129 = arith.constant 128 : i32
    %div3A_1130 = arith.divsi %add3A_1128, %div3A_1129 : i32
    %mul3A_1131 = arith.constant 128 : i32
    %mul3A_1132 = arith.muli %div3A_1130, %mul3A_1131 : i32
    %sub3A_1133 = arith.subi %add3A_1128, %mul3A_1132 : i32
    %div3A_1134 = arith.constant 8 : i32
    %div3A_1135 = vector.broadcast %div3A_1134 : i32 to vector<16xi32>
    %div3A_1136 = arith.divsi %select_n3A_1126, %div3A_1135 : vector<16xi32>
    %mul3A_1137 = arith.constant 8 : i32
    %mul3A_1138 = vector.broadcast %mul3A_1137 : i32 to vector<16xi32>
    %mul3A_1139 = arith.muli %div3A_1136, %mul3A_1138 : vector<16xi32>
    %sub3A_1140 = arith.subi %select_n3A_1126, %mul3A_1139 : vector<16xi32>
    %mul3A_1141 = arith.constant 2 : i32
    %mul3A_1142 = vector.broadcast %mul3A_1141 : i32 to vector<16xi32>
    %mul3A_1143 = arith.muli %div3A_1136, %mul3A_1142 : vector<16xi32>
    %add3A_1144 = vector.broadcast %div3A_1130 : i32 to vector<16xi32>
    %add3A_1145 = arith.addi %mul3A_1143, %add3A_1144 : vector<16xi32>
    %mul3A_1146 = arith.constant 1024 : i32
    %mul3A_1147 = vector.broadcast %mul3A_1146 : i32 to vector<16xi32>
    %mul3A_1148 = arith.muli %add3A_1145, %mul3A_1147 : vector<16xi32>
    %mul3A_1149 = arith.constant 128 : i32
    %mul3A_1150 = vector.broadcast %mul3A_1149 : i32 to vector<16xi32>
    %mul3A_1151 = arith.muli %sub3A_1140, %mul3A_1150 : vector<16xi32>
    %add3A_1152 = arith.addi %mul3A_1148, %mul3A_1151 : vector<16xi32>
    %add3A_1153 = vector.broadcast %sub3A_1133 : i32 to vector<16xi32>
    %add3A_1154 = arith.addi %add3A_1152, %add3A_1153 : vector<16xi32>
    %add3A_1155 = arith.constant 0 : i32
    %add3A_1156 = vector.broadcast %add3A_1155 : i32 to vector<16xi32>
    %add3A_1157 = arith.addi %add3A_1156, %iota3A : vector<16xi32>
    %min3A_1158 = arith.constant 48 : i32
    %min3A_1159 = vector.broadcast %min3A_1158 : i32 to vector<16xi32>
    %min3A_1160 = arith.minsi %add3A_1157, %min3A_1159 : vector<16xi32>
    %mul3A_1161 = arith.constant 256000 : i32
    %mul3A_1162 = vector.broadcast %mul3A_1161 : i32 to vector<16xi32>
    %mul3A_1163 = arith.muli %min3A_1160, %mul3A_1162 : vector<16xi32>
    %add3A_1164 = arith.addi %add3A_1154, %mul3A_1163 : vector<16xi32>
    %swap3A_1165 = arith.constant 6 : i32
    %swap3A_1166 = arith.index_cast %swap3A_1165 : i32 to index
    %swap3A_1167 = arith.constant 0 : index
    %swap3A_1168 = tpu.vector_load %arg6[%swap3A_1166, %swap3A_1167] {strides = array<i32>} : memref<8x64xi32, #tpu.memory_space<vmem>>, vector<16xi32>,
    tpu.vector_store %arg6[%swap3A_1166, %swap3A_1167], %add3A_1164 {strides = array<i32>} : memref<8x64xi32, #tpu.memory_space<vmem>>, vector<16xi32>,
    %add3A_1169 = arith.constant 16 : i32
    %add3A_1170 = vector.broadcast %add3A_1169 : i32 to vector<16xi32>
    %add3A_1171 = arith.addi %add3A_1170, %iota3A : vector<16xi32>
    %min3A_1172 = arith.constant 48 : i32
    %min3A_1173 = vector.broadcast %min3A_1172 : i32 to vector<16xi32>
    %min3A_1174 = arith.minsi %add3A_1171, %min3A_1173 : vector<16xi32>
    %mul3A_1175 = arith.constant 256000 : i32
    %mul3A_1176 = vector.broadcast %mul3A_1175 : i32 to vector<16xi32>
    %mul3A_1177 = arith.muli %min3A_1174, %mul3A_1176 : vector<16xi32>
    %add3A_1178 = arith.addi %add3A_1154, %mul3A_1177 : vector<16xi32>
    %swap3A_1179 = arith.constant 6 : i32
    %swap3A_1180 = arith.index_cast %swap3A_1179 : i32 to index
    %swap3A_1181 = arith.constant 16 : index
    %swap3A_1182 = tpu.vector_load %arg6[%swap3A_1180, %swap3A_1181] {strides = array<i32>} : memref<8x64xi32, #tpu.memory_space<vmem>>, vector<16xi32>,
    tpu.vector_store %arg6[%swap3A_1180, %swap3A_1181], %add3A_1178 {strides = array<i32>} : memref<8x64xi32, #tpu.memory_space<vmem>>, vector<16xi32>,
    %add3A_1183 = arith.constant 32 : i32
    %add3A_1184 = vector.broadcast %add3A_1183 : i32 to vector<16xi32>
    %add3A_1185 = arith.addi %add3A_1184, %iota3A : vector<16xi32>
    %min3A_1186 = arith.constant 48 : i32
    %min3A_1187 = vector.broadcast %min3A_1186 : i32 to vector<16xi32>
    %min3A_1188 = arith.minsi %add3A_1185, %min3A_1187 : vector<16xi32>
    %mul3A_1189 = arith.constant 256000 : i32
    %mul3A_1190 = vector.broadcast %mul3A_1189 : i32 to vector<16xi32>
    %mul3A_1191 = arith.muli %min3A_1188, %mul3A_1190 : vector<16xi32>
    %add3A_1192 = arith.addi %add3A_1154, %mul3A_1191 : vector<16xi32>
    %swap3A_1193 = arith.constant 6 : i32
    %swap3A_1194 = arith.index_cast %swap3A_1193 : i32 to index
    %swap3A_1195 = arith.constant 32 : index
    %swap3A_1196 = tpu.vector_load %arg6[%swap3A_1194, %swap3A_1195] {strides = array<i32>} : memref<8x64xi32, #tpu.memory_space<vmem>>, vector<16xi32>,
    tpu.vector_store %arg6[%swap3A_1194, %swap3A_1195], %add3A_1192 {strides = array<i32>} : memref<8x64xi32, #tpu.memory_space<vmem>>, vector<16xi32>,
    %add3A_1197 = arith.constant 48 : i32
    %add3A_1198 = vector.broadcast %add3A_1197 : i32 to vector<16xi32>
    %add3A_1199 = arith.addi %add3A_1198, %iota3A : vector<16xi32>
    %min3A_1200 = arith.constant 48 : i32
    %min3A_1201 = vector.broadcast %min3A_1200 : i32 to vector<16xi32>
    %min3A_1202 = arith.minsi %add3A_1199, %min3A_1201 : vector<16xi32>
    %mul3A_1203 = arith.constant 256000 : i32
    %mul3A_1204 = vector.broadcast %mul3A_1203 : i32 to vector<16xi32>
    %mul3A_1205 = arith.muli %min3A_1202, %mul3A_1204 : vector<16xi32>
    %add3A_1206 = arith.addi %add3A_1154, %mul3A_1205 : vector<16xi32>
    %swap3A_1207 = arith.constant 6 : i32
    %swap3A_1208 = arith.index_cast %swap3A_1207 : i32 to index
    %swap3A_1209 = arith.constant 48 : index
    %swap3A_1210 = tpu.vector_load %arg6[%swap3A_1208, %swap3A_1209] {strides = array<i32>} : memref<8x64xi32, #tpu.memory_space<vmem>>, vector<16xi32>,
    tpu.vector_store %arg6[%swap3A_1208, %swap3A_1209], %add3A_1206 {strides = array<i32>} : memref<8x64xi32, #tpu.memory_space<vmem>>, vector<16xi32>,
    %dma_start3A_1211 = arith.constant 6 : i32
    %dma_start3A_1212 = arith.constant 384 : i32
    %dma_start3A_1213 = tpu.memref_slice %arg7[%dma_start3A_1212] : memref<512xf32, #tpu.memory_space<vmem>> -> memref<64xf32, #tpu.memory_space<vmem>>
    %dma_start3A_1214 = arith.constant 0 : i32
    %dma_start3A_1215 = tpu.memref_slice %arg6[%dma_start3A_1211, %dma_start3A_1214] : memref<8x64xi32, #tpu.memory_space<vmem>> -> memref<1x64xi32, #tpu.memory_space<vmem>>
    %dma_start3A_1216 = tpu.memref_squeeze %dma_start3A_1215 : memref<1x64xi32, #tpu.memory_space<vmem>> -> memref<64xi32, #tpu.memory_space<vmem>>
    %dma_start3A_1217 = arith.constant 0 : i32
    %dma_start3A_1218 = tpu.memref_slice %arg3[%dma_start3A_1217] : memref<12544000xf32, #tpu.memory_space<hbm>> -> memref<12544000xf32, #tpu.memory_space<hbm>>
    tpu.enqueue_indirect_dma source(%dma_start3A_1218 : memref<12544000xf32, #tpu.memory_space<hbm>>) target(%dma_start3A_1213 : memref<64xf32, #tpu.memory_space<vmem>>) offsets(%dma_start3A_1216 : memref<64xi32, #tpu.memory_space<vmem>>) semaphore(%arg10 : memref<!tpu.dma_semaphore, #tpu.memory_space<semaphore_mem>>)
    %broadcast_in_dim3A_1219 = arith.constant 0xFF800000 : f32
    %broadcast_in_dim3A_1220 = vector.broadcast %broadcast_in_dim3A_1219 : f32 to vector<16xf32>
    %broadcast_in_dim3A_1221 = arith.constant 0 : i32
    %broadcast_in_dim3A_1222 = vector.broadcast %broadcast_in_dim3A_1221 : i32 to vector<16xi32>
    %scan3A_1223 = arith.constant 0 : i32
    %scan3A_1224 = arith.constant 62 : i32
    %scan3A_1225 = arith.addi %scan3A_1223, %scan3A_1224 : i32
    %scan3A_1226 = arith.constant 1 : i32
    %scan3A_1227:2 = scf.for %scan3A_1460 = %scan3A_1223 to %scan3A_1225 step %scan3A_1226 iter_args(%scan3A_1461 = %broadcast_in_dim3A_1220, %scan3A_1462 = %broadcast_in_dim3A_1222) -> (vector<16xf32>, vector<16xi32>)  : i32 {
      %mul3A_1463 = arith.constant 16 : i32
      %mul3A_1464 = arith.muli %scan3A_1460, %mul3A_1463 : i32
      %get3A_1465 = arith.constant 7 : i32
      %get3A_1466 = arith.index_cast %get3A_1465 : i32 to index
      %get3A_1467 = arith.index_cast %mul3A_1464 : i32 to index
      %get3A_1468 = tpu.vector_load %arg5[%get3A_1466, %get3A_1467] {strides = array<i32>} : memref<8x1000xf32, #tpu.memory_space<vmem>>, vector<16xf32>,
      %mul3A_1469 = arith.constant 16 : i32
      %mul3A_1470 = arith.muli %scan3A_1460, %mul3A_1469 : i32
      %add3A_1471 = vector.broadcast %mul3A_1470 : i32 to vector<16xi32>
      %add3A_1472 = arith.addi %add3A_1471, %iota3A : vector<16xi32>
      %gt3A_1473 = arith.cmpf ogt, %get3A_1468, %scan3A_1461 : vector<16xf32>
      %select_n3A_1474 = arith.select %gt3A_1473, %get3A_1468, %scan3A_1461 : vector<16xi1>, vector<16xf32>
      %select_n3A_1475 = arith.select %gt3A_1473, %add3A_1472, %scan3A_1462 : vector<16xi1>, vector<16xi32>
      scf.yield %select_n3A_1474, %select_n3A_1475 : vector<16xf32>, vector<16xi32>
    }
    %scan3A_1228 = arith.constant 62 : i32
    %get3A_1229 = arith.constant 7 : i32
    %get3A_1230 = arith.index_cast %get3A_1229 : i32 to index
    %get3A_1231 = arith.constant 984 : index
    %get3A_1232 = tpu.vector_load %arg5[%get3A_1230, %get3A_1231] {strides = array<i32>} : memref<8x1000xf32, #tpu.memory_space<vmem>>, vector<16xf32>,
    %add3A_1233 = arith.constant 984 : i32
    %add3A_1234 = vector.broadcast %add3A_1233 : i32 to vector<16xi32>
    %add3A_1235 = arith.addi %add3A_1234, %iota3A : vector<16xi32>
    %gt3A_1236 = arith.cmpf ogt, %get3A_1232, %scan3A_1227#0 : vector<16xf32>
    %select_n3A_1237 = arith.select %gt3A_1236, %get3A_1232, %scan3A_1227#0 : vector<16xi1>, vector<16xf32>
    %select_n3A_1238 = arith.select %gt3A_1236, %add3A_1235, %scan3A_1227#1 : vector<16xi1>, vector<16xi32>
    %swap3A_1239 = arith.constant 0 : index
    %swap3A_1240 = tpu.vector_load %arg8[%swap3A_1239] {strides = array<i32>} : memref<16xf32, #tpu.memory_space<vmem>>, vector<16xf32>,
    tpu.vector_store %arg8[%swap3A_1239], %select_n3A_1237 {strides = array<i32>} : memref<16xf32, #tpu.memory_space<vmem>>, vector<16xf32>,
    %swap3A_1241 = arith.constant 0 : index
    %swap3A_1242 = tpu.vector_load %arg9[%swap3A_1241] {strides = array<i32>} : memref<16xi32, #tpu.memory_space<vmem>>, vector<16xi32>,
    tpu.vector_store %arg9[%swap3A_1241], %select_n3A_1238 {strides = array<i32>} : memref<16xi32, #tpu.memory_space<vmem>>, vector<16xi32>,
    %xor3A_1243 = arith.constant 8 : i32
    %xor3A_1244 = vector.broadcast %xor3A_1243 : i32 to vector<16xi32>
    %xor3A_1245 = arith.xori %iota3A, %xor3A_1244 : vector<16xi32>
    %gather3A_1246 = tpu.vector_load_idx %arg8[%xor3A_1245] : memref<16xf32, #tpu.memory_space<vmem>>[vector<16xi32>], vector<16xf32>,
    %gather3A_1247 = tpu.vector_load_idx %arg9[%xor3A_1245] : memref<16xi32, #tpu.memory_space<vmem>>[vector<16xi32>], vector<16xi32>,
    %gt3A_1248 = arith.cmpf ogt, %gather3A_1246, %select_n3A_1237 : vector<16xf32>
    %eq3A_1249 = arith.cmpf oeq, %gather3A_1246, %select_n3A_1237 : vector<16xf32>
    %lt3A_1250 = arith.cmpi slt, %gather3A_1247, %select_n3A_1238 : vector<16xi32>
    %and3A_1251 = arith.andi %eq3A_1249, %lt3A_1250 : vector<16xi1>
    %or3A_1252 = arith.ori %gt3A_1248, %and3A_1251 : vector<16xi1>
    %select_n3A_1253 = arith.select %or3A_1252, %gather3A_1246, %select_n3A_1237 : vector<16xi1>, vector<16xf32>
    %select_n3A_1254 = arith.select %or3A_1252, %gather3A_1247, %select_n3A_1238 : vector<16xi1>, vector<16xi32>
    %swap3A_1255 = arith.constant 0 : index
    %swap3A_1256 = tpu.vector_load %arg8[%swap3A_1255] {strides = array<i32>} : memref<16xf32, #tpu.memory_space<vmem>>, vector<16xf32>,
    tpu.vector_store %arg8[%swap3A_1255], %select_n3A_1253 {strides = array<i32>} : memref<16xf32, #tpu.memory_space<vmem>>, vector<16xf32>,
    %swap3A_1257 = arith.constant 0 : index
    %swap3A_1258 = tpu.vector_load %arg9[%swap3A_1257] {strides = array<i32>} : memref<16xi32, #tpu.memory_space<vmem>>, vector<16xi32>,
    tpu.vector_store %arg9[%swap3A_1257], %select_n3A_1254 {strides = array<i32>} : memref<16xi32, #tpu.memory_space<vmem>>, vector<16xi32>,
    %xor3A_1259 = arith.constant 4 : i32
    %xor3A_1260 = vector.broadcast %xor3A_1259 : i32 to vector<16xi32>
    %xor3A_1261 = arith.xori %iota3A, %xor3A_1260 : vector<16xi32>
    %gather3A_1262 = tpu.vector_load_idx %arg8[%xor3A_1261] : memref<16xf32, #tpu.memory_space<vmem>>[vector<16xi32>], vector<16xf32>,
    %gather3A_1263 = tpu.vector_load_idx %arg9[%xor3A_1261] : memref<16xi32, #tpu.memory_space<vmem>>[vector<16xi32>], vector<16xi32>,
    %gt3A_1264 = arith.cmpf ogt, %gather3A_1262, %select_n3A_1253 : vector<16xf32>
    %eq3A_1265 = arith.cmpf oeq, %gather3A_1262, %select_n3A_1253 : vector<16xf32>
    %lt3A_1266 = arith.cmpi slt, %gather3A_1263, %select_n3A_1254 : vector<16xi32>
    %and3A_1267 = arith.andi %eq3A_1265, %lt3A_1266 : vector<16xi1>
    %or3A_1268 = arith.ori %gt3A_1264, %and3A_1267 : vector<16xi1>
    %select_n3A_1269 = arith.select %or3A_1268, %gather3A_1262, %select_n3A_1253 : vector<16xi1>, vector<16xf32>
    %select_n3A_1270 = arith.select %or3A_1268, %gather3A_1263, %select_n3A_1254 : vector<16xi1>, vector<16xi32>
    %swap3A_1271 = arith.constant 0 : index
    %swap3A_1272 = tpu.vector_load %arg8[%swap3A_1271] {strides = array<i32>} : memref<16xf32, #tpu.memory_space<vmem>>, vector<16xf32>,
    tpu.vector_store %arg8[%swap3A_1271], %select_n3A_1269 {strides = array<i32>} : memref<16xf32, #tpu.memory_space<vmem>>, vector<16xf32>,
    %swap3A_1273 = arith.constant 0 : index
    %swap3A_1274 = tpu.vector_load %arg9[%swap3A_1273] {strides = array<i32>} : memref<16xi32, #tpu.memory_space<vmem>>, vector<16xi32>,
    tpu.vector_store %arg9[%swap3A_1273], %select_n3A_1270 {strides = array<i32>} : memref<16xi32, #tpu.memory_space<vmem>>, vector<16xi32>,
    %xor3A_1275 = arith.constant 2 : i32
    %xor3A_1276 = vector.broadcast %xor3A_1275 : i32 to vector<16xi32>
    %xor3A_1277 = arith.xori %iota3A, %xor3A_1276 : vector<16xi32>
    %gather3A_1278 = tpu.vector_load_idx %arg8[%xor3A_1277] : memref<16xf32, #tpu.memory_space<vmem>>[vector<16xi32>], vector<16xf32>,
    %gather3A_1279 = tpu.vector_load_idx %arg9[%xor3A_1277] : memref<16xi32, #tpu.memory_space<vmem>>[vector<16xi32>], vector<16xi32>,
    %gt3A_1280 = arith.cmpf ogt, %gather3A_1278, %select_n3A_1269 : vector<16xf32>
    %eq3A_1281 = arith.cmpf oeq, %gather3A_1278, %select_n3A_1269 : vector<16xf32>
    %lt3A_1282 = arith.cmpi slt, %gather3A_1279, %select_n3A_1270 : vector<16xi32>
    %and3A_1283 = arith.andi %eq3A_1281, %lt3A_1282 : vector<16xi1>
    %or3A_1284 = arith.ori %gt3A_1280, %and3A_1283 : vector<16xi1>
    %select_n3A_1285 = arith.select %or3A_1284, %gather3A_1278, %select_n3A_1269 : vector<16xi1>, vector<16xf32>
    %select_n3A_1286 = arith.select %or3A_1284, %gather3A_1279, %select_n3A_1270 : vector<16xi1>, vector<16xi32>
    %swap3A_1287 = arith.constant 0 : index
    %swap3A_1288 = tpu.vector_load %arg8[%swap3A_1287] {strides = array<i32>} : memref<16xf32, #tpu.memory_space<vmem>>, vector<16xf32>,
    tpu.vector_store %arg8[%swap3A_1287], %select_n3A_1285 {strides = array<i32>} : memref<16xf32, #tpu.memory_space<vmem>>, vector<16xf32>,
    %swap3A_1289 = arith.constant 0 : index
    %swap3A_1290 = tpu.vector_load %arg9[%swap3A_1289] {strides = array<i32>} : memref<16xi32, #tpu.memory_space<vmem>>, vector<16xi32>,
    tpu.vector_store %arg9[%swap3A_1289], %select_n3A_1286 {strides = array<i32>} : memref<16xi32, #tpu.memory_space<vmem>>, vector<16xi32>,
    %xor3A_1291 = arith.constant 1 : i32
    %xor3A_1292 = vector.broadcast %xor3A_1291 : i32 to vector<16xi32>
    %xor3A_1293 = arith.xori %iota3A, %xor3A_1292 : vector<16xi32>
    %gather3A_1294 = tpu.vector_load_idx %arg8[%xor3A_1293] : memref<16xf32, #tpu.memory_space<vmem>>[vector<16xi32>], vector<16xf32>,
    %gather3A_1295 = tpu.vector_load_idx %arg9[%xor3A_1293] : memref<16xi32, #tpu.memory_space<vmem>>[vector<16xi32>], vector<16xi32>,
    %gt3A_1296 = arith.cmpf ogt, %gather3A_1294, %select_n3A_1285 : vector<16xf32>
    %eq3A_1297 = arith.cmpf oeq, %gather3A_1294, %select_n3A_1285 : vector<16xf32>
    %lt3A_1298 = arith.cmpi slt, %gather3A_1295, %select_n3A_1286 : vector<16xi32>
    %and3A_1299 = arith.andi %eq3A_1297, %lt3A_1298 : vector<16xi1>
    %or3A_1300 = arith.ori %gt3A_1296, %and3A_1299 : vector<16xi1>
    %select_n3A_1301 = arith.select %or3A_1300, %gather3A_1294, %select_n3A_1285 : vector<16xi1>, vector<16xf32>
    %select_n3A_1302 = arith.select %or3A_1300, %gather3A_1295, %select_n3A_1286 : vector<16xi1>, vector<16xi32>
    %add3A_1303 = arith.constant 7 : i32
    %add3A_1304 = arith.addi %mul3A_2, %add3A_1303 : i32
    %div3A_1305 = arith.constant 128 : i32
    %div3A_1306 = arith.divsi %add3A_1304, %div3A_1305 : i32
    %mul3A_1307 = arith.constant 128 : i32
    %mul3A_1308 = arith.muli %div3A_1306, %mul3A_1307 : i32
    %sub3A_1309 = arith.subi %add3A_1304, %mul3A_1308 : i32
    %div3A_1310 = arith.constant 8 : i32
    %div3A_1311 = vector.broadcast %div3A_1310 : i32 to vector<16xi32>
    %div3A_1312 = arith.divsi %select_n3A_1302, %div3A_1311 : vector<16xi32>
    %mul3A_1313 = arith.constant 8 : i32
    %mul3A_1314 = vector.broadcast %mul3A_1313 : i32 to vector<16xi32>
    %mul3A_1315 = arith.muli %div3A_1312, %mul3A_1314 : vector<16xi32>
    %sub3A_1316 = arith.subi %select_n3A_1302, %mul3A_1315 : vector<16xi32>
    %mul3A_1317 = arith.constant 2 : i32
    %mul3A_1318 = vector.broadcast %mul3A_1317 : i32 to vector<16xi32>
    %mul3A_1319 = arith.muli %div3A_1312, %mul3A_1318 : vector<16xi32>
    %add3A_1320 = vector.broadcast %div3A_1306 : i32 to vector<16xi32>
    %add3A_1321 = arith.addi %mul3A_1319, %add3A_1320 : vector<16xi32>
    %mul3A_1322 = arith.constant 1024 : i32
    %mul3A_1323 = vector.broadcast %mul3A_1322 : i32 to vector<16xi32>
    %mul3A_1324 = arith.muli %add3A_1321, %mul3A_1323 : vector<16xi32>
    %mul3A_1325 = arith.constant 128 : i32
    %mul3A_1326 = vector.broadcast %mul3A_1325 : i32 to vector<16xi32>
    %mul3A_1327 = arith.muli %sub3A_1316, %mul3A_1326 : vector<16xi32>
    %add3A_1328 = arith.addi %mul3A_1324, %mul3A_1327 : vector<16xi32>
    %add3A_1329 = vector.broadcast %sub3A_1309 : i32 to vector<16xi32>
    %add3A_1330 = arith.addi %add3A_1328, %add3A_1329 : vector<16xi32>
    %add3A_1331 = arith.constant 0 : i32
    %add3A_1332 = vector.broadcast %add3A_1331 : i32 to vector<16xi32>
    %add3A_1333 = arith.addi %add3A_1332, %iota3A : vector<16xi32>
    %min3A_1334 = arith.constant 48 : i32
    %min3A_1335 = vector.broadcast %min3A_1334 : i32 to vector<16xi32>
    %min3A_1336 = arith.minsi %add3A_1333, %min3A_1335 : vector<16xi32>
    %mul3A_1337 = arith.constant 256000 : i32
    %mul3A_1338 = vector.broadcast %mul3A_1337 : i32 to vector<16xi32>
    %mul3A_1339 = arith.muli %min3A_1336, %mul3A_1338 : vector<16xi32>
    %add3A_1340 = arith.addi %add3A_1330, %mul3A_1339 : vector<16xi32>
    %swap3A_1341 = arith.constant 7 : i32
    %swap3A_1342 = arith.index_cast %swap3A_1341 : i32 to index
    %swap3A_1343 = arith.constant 0 : index
    %swap3A_1344 = tpu.vector_load %arg6[%swap3A_1342, %swap3A_1343] {strides = array<i32>} : memref<8x64xi32, #tpu.memory_space<vmem>>, vector<16xi32>,
    tpu.vector_store %arg6[%swap3A_1342, %swap3A_1343], %add3A_1340 {strides = array<i32>} : memref<8x64xi32, #tpu.memory_space<vmem>>, vector<16xi32>,
    %add3A_1345 = arith.constant 16 : i32
    %add3A_1346 = vector.broadcast %add3A_1345 : i32 to vector<16xi32>
    %add3A_1347 = arith.addi %add3A_1346, %iota3A : vector<16xi32>
    %min3A_1348 = arith.constant 48 : i32
    %min3A_1349 = vector.broadcast %min3A_1348 : i32 to vector<16xi32>
    %min3A_1350 = arith.minsi %add3A_1347, %min3A_1349 : vector<16xi32>
    %mul3A_1351 = arith.constant 256000 : i32
    %mul3A_1352 = vector.broadcast %mul3A_1351 : i32 to vector<16xi32>
    %mul3A_1353 = arith.muli %min3A_1350, %mul3A_1352 : vector<16xi32>
    %add3A_1354 = arith.addi %add3A_1330, %mul3A_1353 : vector<16xi32>
    %swap3A_1355 = arith.constant 7 : i32
    %swap3A_1356 = arith.index_cast %swap3A_1355 : i32 to index
    %swap3A_1357 = arith.constant 16 : index
    %swap3A_1358 = tpu.vector_load %arg6[%swap3A_1356, %swap3A_1357] {strides = array<i32>} : memref<8x64xi32, #tpu.memory_space<vmem>>, vector<16xi32>,
    tpu.vector_store %arg6[%swap3A_1356, %swap3A_1357], %add3A_1354 {strides = array<i32>} : memref<8x64xi32, #tpu.memory_space<vmem>>, vector<16xi32>,
    %add3A_1359 = arith.constant 32 : i32
    %add3A_1360 = vector.broadcast %add3A_1359 : i32 to vector<16xi32>
    %add3A_1361 = arith.addi %add3A_1360, %iota3A : vector<16xi32>
    %min3A_1362 = arith.constant 48 : i32
    %min3A_1363 = vector.broadcast %min3A_1362 : i32 to vector<16xi32>
    %min3A_1364 = arith.minsi %add3A_1361, %min3A_1363 : vector<16xi32>
    %mul3A_1365 = arith.constant 256000 : i32
    %mul3A_1366 = vector.broadcast %mul3A_1365 : i32 to vector<16xi32>
    %mul3A_1367 = arith.muli %min3A_1364, %mul3A_1366 : vector<16xi32>
    %add3A_1368 = arith.addi %add3A_1330, %mul3A_1367 : vector<16xi32>
    %swap3A_1369 = arith.constant 7 : i32
    %swap3A_1370 = arith.index_cast %swap3A_1369 : i32 to index
    %swap3A_1371 = arith.constant 32 : index
    %swap3A_1372 = tpu.vector_load %arg6[%swap3A_1370, %swap3A_1371] {strides = array<i32>} : memref<8x64xi32, #tpu.memory_space<vmem>>, vector<16xi32>,
    tpu.vector_store %arg6[%swap3A_1370, %swap3A_1371], %add3A_1368 {strides = array<i32>} : memref<8x64xi32, #tpu.memory_space<vmem>>, vector<16xi32>,
    %add3A_1373 = arith.constant 48 : i32
    %add3A_1374 = vector.broadcast %add3A_1373 : i32 to vector<16xi32>
    %add3A_1375 = arith.addi %add3A_1374, %iota3A : vector<16xi32>
    %min3A_1376 = arith.constant 48 : i32
    %min3A_1377 = vector.broadcast %min3A_1376 : i32 to vector<16xi32>
    %min3A_1378 = arith.minsi %add3A_1375, %min3A_1377 : vector<16xi32>
    %mul3A_1379 = arith.constant 256000 : i32
    %mul3A_1380 = vector.broadcast %mul3A_1379 : i32 to vector<16xi32>
    %mul3A_1381 = arith.muli %min3A_1378, %mul3A_1380 : vector<16xi32>
    %add3A_1382 = arith.addi %add3A_1330, %mul3A_1381 : vector<16xi32>
    %swap3A_1383 = arith.constant 7 : i32
    %swap3A_1384 = arith.index_cast %swap3A_1383 : i32 to index
    %swap3A_1385 = arith.constant 48 : index
    %swap3A_1386 = tpu.vector_load %arg6[%swap3A_1384, %swap3A_1385] {strides = array<i32>} : memref<8x64xi32, #tpu.memory_space<vmem>>, vector<16xi32>,
    tpu.vector_store %arg6[%swap3A_1384, %swap3A_1385], %add3A_1382 {strides = array<i32>} : memref<8x64xi32, #tpu.memory_space<vmem>>, vector<16xi32>,
    %dma_start3A_1387 = arith.constant 7 : i32
    %dma_start3A_1388 = arith.constant 448 : i32
    %dma_start3A_1389 = tpu.memref_slice %arg7[%dma_start3A_1388] : memref<512xf32, #tpu.memory_space<vmem>> -> memref<64xf32, #tpu.memory_space<vmem>>
    %dma_start3A_1390 = arith.constant 0 : i32
    %dma_start3A_1391 = tpu.memref_slice %arg6[%dma_start3A_1387, %dma_start3A_1390] : memref<8x64xi32, #tpu.memory_space<vmem>> -> memref<1x64xi32, #tpu.memory_space<vmem>>
    %dma_start3A_1392 = tpu.memref_squeeze %dma_start3A_1391 : memref<1x64xi32, #tpu.memory_space<vmem>> -> memref<64xi32, #tpu.memory_space<vmem>>
    %dma_start3A_1393 = arith.constant 0 : i32
    %dma_start3A_1394 = tpu.memref_slice %arg3[%dma_start3A_1393] : memref<12544000xf32, #tpu.memory_space<hbm>> -> memref<12544000xf32, #tpu.memory_space<hbm>>
    tpu.enqueue_indirect_dma source(%dma_start3A_1394 : memref<12544000xf32, #tpu.memory_space<hbm>>) target(%dma_start3A_1389 : memref<64xf32, #tpu.memory_space<vmem>>) offsets(%dma_start3A_1392 : memref<64xi32, #tpu.memory_space<vmem>>) semaphore(%arg10 : memref<!tpu.dma_semaphore, #tpu.memory_space<semaphore_mem>>)
    %dma_wait3A = arith.constant 0 : i32
    %dma_wait3A_1395 = arith.constant 0 : i32
    %dma_wait3A_1396 = tpu.memref_slice %arg7[%dma_wait3A_1395] : memref<512xf32, #tpu.memory_space<vmem>> -> memref<64xf32, #tpu.memory_space<vmem>>
    %dma_wait3A_1397 = arith.constant 0 : i32
    %dma_wait3A_1398 = tpu.memref_slice %arg6[%dma_wait3A, %dma_wait3A_1397] : memref<8x64xi32, #tpu.memory_space<vmem>> -> memref<1x64xi32, #tpu.memory_space<vmem>>
    %dma_wait3A_1399 = tpu.memref_squeeze %dma_wait3A_1398 : memref<1x64xi32, #tpu.memory_space<vmem>> -> memref<64xi32, #tpu.memory_space<vmem>>
    %dma_wait3A_1400 = arith.constant 0 : i32
    %dma_wait3A_1401 = tpu.memref_slice %arg3[%dma_wait3A_1400] : memref<12544000xf32, #tpu.memory_space<hbm>> -> memref<12544000xf32, #tpu.memory_space<hbm>>
    tpu.wait_indirect_dma semaphore(%arg10 : memref<!tpu.dma_semaphore, #tpu.memory_space<semaphore_mem>>) src(%dma_wait3A_1401 : memref<12544000xf32, #tpu.memory_space<hbm>>) dst(%dma_wait3A_1396 : memref<64xf32, #tpu.memory_space<vmem>>)
    %dma_wait3A_1402 = arith.constant 1 : i32
    %dma_wait3A_1403 = arith.constant 64 : i32
    %dma_wait3A_1404 = tpu.memref_slice %arg7[%dma_wait3A_1403] : memref<512xf32, #tpu.memory_space<vmem>> -> memref<64xf32, #tpu.memory_space<vmem>>
    %dma_wait3A_1405 = arith.constant 0 : i32
    %dma_wait3A_1406 = tpu.memref_slice %arg6[%dma_wait3A_1402, %dma_wait3A_1405] : memref<8x64xi32, #tpu.memory_space<vmem>> -> memref<1x64xi32, #tpu.memory_space<vmem>>
    %dma_wait3A_1407 = tpu.memref_squeeze %dma_wait3A_1406 : memref<1x64xi32, #tpu.memory_space<vmem>> -> memref<64xi32, #tpu.memory_space<vmem>>
    %dma_wait3A_1408 = arith.constant 0 : i32
    %dma_wait3A_1409 = tpu.memref_slice %arg3[%dma_wait3A_1408] : memref<12544000xf32, #tpu.memory_space<hbm>> -> memref<12544000xf32, #tpu.memory_space<hbm>>
    tpu.wait_indirect_dma semaphore(%arg10 : memref<!tpu.dma_semaphore, #tpu.memory_space<semaphore_mem>>) src(%dma_wait3A_1409 : memref<12544000xf32, #tpu.memory_space<hbm>>) dst(%dma_wait3A_1404 : memref<64xf32, #tpu.memory_space<vmem>>)
    %dma_wait3A_1410 = arith.constant 2 : i32
    %dma_wait3A_1411 = arith.constant 128 : i32
    %dma_wait3A_1412 = tpu.memref_slice %arg7[%dma_wait3A_1411] : memref<512xf32, #tpu.memory_space<vmem>> -> memref<64xf32, #tpu.memory_space<vmem>>
    %dma_wait3A_1413 = arith.constant 0 : i32
    %dma_wait3A_1414 = tpu.memref_slice %arg6[%dma_wait3A_1410, %dma_wait3A_1413] : memref<8x64xi32, #tpu.memory_space<vmem>> -> memref<1x64xi32, #tpu.memory_space<vmem>>
    %dma_wait3A_1415 = tpu.memref_squeeze %dma_wait3A_1414 : memref<1x64xi32, #tpu.memory_space<vmem>> -> memref<64xi32, #tpu.memory_space<vmem>>
    %dma_wait3A_1416 = arith.constant 0 : i32
    %dma_wait3A_1417 = tpu.memref_slice %arg3[%dma_wait3A_1416] : memref<12544000xf32, #tpu.memory_space<hbm>> -> memref<12544000xf32, #tpu.memory_space<hbm>>
    tpu.wait_indirect_dma semaphore(%arg10 : memref<!tpu.dma_semaphore, #tpu.memory_space<semaphore_mem>>) src(%dma_wait3A_1417 : memref<12544000xf32, #tpu.memory_space<hbm>>) dst(%dma_wait3A_1412 : memref<64xf32, #tpu.memory_space<vmem>>)
    %dma_wait3A_1418 = arith.constant 3 : i32
    %dma_wait3A_1419 = arith.constant 192 : i32
    %dma_wait3A_1420 = tpu.memref_slice %arg7[%dma_wait3A_1419] : memref<512xf32, #tpu.memory_space<vmem>> -> memref<64xf32, #tpu.memory_space<vmem>>
    %dma_wait3A_1421 = arith.constant 0 : i32
    %dma_wait3A_1422 = tpu.memref_slice %arg6[%dma_wait3A_1418, %dma_wait3A_1421] : memref<8x64xi32, #tpu.memory_space<vmem>> -> memref<1x64xi32, #tpu.memory_space<vmem>>
    %dma_wait3A_1423 = tpu.memref_squeeze %dma_wait3A_1422 : memref<1x64xi32, #tpu.memory_space<vmem>> -> memref<64xi32, #tpu.memory_space<vmem>>
    %dma_wait3A_1424 = arith.constant 0 : i32
    %dma_wait3A_1425 = tpu.memref_slice %arg3[%dma_wait3A_1424] : memref<12544000xf32, #tpu.memory_space<hbm>> -> memref<12544000xf32, #tpu.memory_space<hbm>>
    tpu.wait_indirect_dma semaphore(%arg10 : memref<!tpu.dma_semaphore, #tpu.memory_space<semaphore_mem>>) src(%dma_wait3A_1425 : memref<12544000xf32, #tpu.memory_space<hbm>>) dst(%dma_wait3A_1420 : memref<64xf32, #tpu.memory_space<vmem>>)
    %dma_wait3A_1426 = arith.constant 4 : i32
    %dma_wait3A_1427 = arith.constant 256 : i32
    %dma_wait3A_1428 = tpu.memref_slice %arg7[%dma_wait3A_1427] : memref<512xf32, #tpu.memory_space<vmem>> -> memref<64xf32, #tpu.memory_space<vmem>>
    %dma_wait3A_1429 = arith.constant 0 : i32
    %dma_wait3A_1430 = tpu.memref_slice %arg6[%dma_wait3A_1426, %dma_wait3A_1429] : memref<8x64xi32, #tpu.memory_space<vmem>> -> memref<1x64xi32, #tpu.memory_space<vmem>>
    %dma_wait3A_1431 = tpu.memref_squeeze %dma_wait3A_1430 : memref<1x64xi32, #tpu.memory_space<vmem>> -> memref<64xi32, #tpu.memory_space<vmem>>
    %dma_wait3A_1432 = arith.constant 0 : i32
    %dma_wait3A_1433 = tpu.memref_slice %arg3[%dma_wait3A_1432] : memref<12544000xf32, #tpu.memory_space<hbm>> -> memref<12544000xf32, #tpu.memory_space<hbm>>
    tpu.wait_indirect_dma semaphore(%arg10 : memref<!tpu.dma_semaphore, #tpu.memory_space<semaphore_mem>>) src(%dma_wait3A_1433 : memref<12544000xf32, #tpu.memory_space<hbm>>) dst(%dma_wait3A_1428 : memref<64xf32, #tpu.memory_space<vmem>>)
    %dma_wait3A_1434 = arith.constant 5 : i32
    %dma_wait3A_1435 = arith.constant 320 : i32
    %dma_wait3A_1436 = tpu.memref_slice %arg7[%dma_wait3A_1435] : memref<512xf32, #tpu.memory_space<vmem>> -> memref<64xf32, #tpu.memory_space<vmem>>
    %dma_wait3A_1437 = arith.constant 0 : i32
    %dma_wait3A_1438 = tpu.memref_slice %arg6[%dma_wait3A_1434, %dma_wait3A_1437] : memref<8x64xi32, #tpu.memory_space<vmem>> -> memref<1x64xi32, #tpu.memory_space<vmem>>
    %dma_wait3A_1439 = tpu.memref_squeeze %dma_wait3A_1438 : memref<1x64xi32, #tpu.memory_space<vmem>> -> memref<64xi32, #tpu.memory_space<vmem>>
    %dma_wait3A_1440 = arith.constant 0 : i32
    %dma_wait3A_1441 = tpu.memref_slice %arg3[%dma_wait3A_1440] : memref<12544000xf32, #tpu.memory_space<hbm>> -> memref<12544000xf32, #tpu.memory_space<hbm>>
    tpu.wait_indirect_dma semaphore(%arg10 : memref<!tpu.dma_semaphore, #tpu.memory_space<semaphore_mem>>) src(%dma_wait3A_1441 : memref<12544000xf32, #tpu.memory_space<hbm>>) dst(%dma_wait3A_1436 : memref<64xf32, #tpu.memory_space<vmem>>)
    %dma_wait3A_1442 = arith.constant 6 : i32
    %dma_wait3A_1443 = arith.constant 384 : i32
    %dma_wait3A_1444 = tpu.memref_slice %arg7[%dma_wait3A_1443] : memref<512xf32, #tpu.memory_space<vmem>> -> memref<64xf32, #tpu.memory_space<vmem>>
    %dma_wait3A_1445 = arith.constant 0 : i32
    %dma_wait3A_1446 = tpu.memref_slice %arg6[%dma_wait3A_1442, %dma_wait3A_1445] : memref<8x64xi32, #tpu.memory_space<vmem>> -> memref<1x64xi32, #tpu.memory_space<vmem>>
    %dma_wait3A_1447 = tpu.memref_squeeze %dma_wait3A_1446 : memref<1x64xi32, #tpu.memory_space<vmem>> -> memref<64xi32, #tpu.memory_space<vmem>>
    %dma_wait3A_1448 = arith.constant 0 : i32
    %dma_wait3A_1449 = tpu.memref_slice %arg3[%dma_wait3A_1448] : memref<12544000xf32, #tpu.memory_space<hbm>> -> memref<12544000xf32, #tpu.memory_space<hbm>>
    tpu.wait_indirect_dma semaphore(%arg10 : memref<!tpu.dma_semaphore, #tpu.memory_space<semaphore_mem>>) src(%dma_wait3A_1449 : memref<12544000xf32, #tpu.memory_space<hbm>>) dst(%dma_wait3A_1444 : memref<64xf32, #tpu.memory_space<vmem>>)
    %dma_wait3A_1450 = arith.constant 7 : i32
    %dma_wait3A_1451 = arith.constant 448 : i32
    %dma_wait3A_1452 = tpu.memref_slice %arg7[%dma_wait3A_1451] : memref<512xf32, #tpu.memory_space<vmem>> -> memref<64xf32, #tpu.memory_space<vmem>>
    %dma_wait3A_1453 = arith.constant 0 : i32
    %dma_wait3A_1454 = tpu.memref_slice %arg6[%dma_wait3A_1450, %dma_wait3A_1453] : memref<8x64xi32, #tpu.memory_space<vmem>> -> memref<1x64xi32, #tpu.memory_space<vmem>>
    %dma_wait3A_1455 = tpu.memref_squeeze %dma_wait3A_1454 : memref<1x64xi32, #tpu.memory_space<vmem>> -> memref<64xi32, #tpu.memory_space<vmem>>
    %dma_wait3A_1456 = arith.constant 0 : i32
    %dma_wait3A_1457 = tpu.memref_slice %arg3[%dma_wait3A_1456] : memref<12544000xf32, #tpu.memory_space<hbm>> -> memref<12544000xf32, #tpu.memory_space<hbm>>
    tpu.wait_indirect_dma semaphore(%arg10 : memref<!tpu.dma_semaphore, #tpu.memory_space<semaphore_mem>>) src(%dma_wait3A_1457 : memref<12544000xf32, #tpu.memory_space<hbm>>) dst(%dma_wait3A_1452 : memref<64xf32, #tpu.memory_space<vmem>>)
    %mul3A_1458 = arith.constant 64 : i32
    %mul3A_1459 = arith.muli %mul3A_2, %mul3A_1458 : i32
    "tpu.region"() ({
      %run_scoped3A = tpu.sem_alloc : memref<!tpu.dma_semaphore, #tpu.memory_space<semaphore_mem>>
      %dma_start3A_1460 = tpu.memref_slice %arg4[%mul3A_1459] : memref<16384xf32, #tpu.memory_space<hbm>> -> memref<512xf32, #tpu.memory_space<hbm>>
      %dma_start3A_1461 = tpu.memref_slice %arg4[%mul3A_1459] : memref<16384xf32, #tpu.memory_space<hbm>> -> memref<512xf32, #tpu.memory_space<hbm>>
      tpu.enqueue_dma source(%arg7 : memref<512xf32, #tpu.memory_space<vmem>>) target(%dma_start3A_1461 : memref<512xf32, #tpu.memory_space<hbm>>) target_semaphore(%run_scoped3A : memref<!tpu.dma_semaphore, #tpu.memory_space<semaphore_mem>>)
      %dma_wait3A_1462 = tpu.memref_slice %arg4[%mul3A_1459] : memref<16384xf32, #tpu.memory_space<hbm>> -> memref<512xf32, #tpu.memory_space<hbm>>
      %dma_wait3A_1463 = tpu.memref_slice %arg4[%mul3A_1459] : memref<16384xf32, #tpu.memory_space<hbm>> -> memref<512xf32, #tpu.memory_space<hbm>>
      tpu.wait_dma2 semaphore(%run_scoped3A : memref<!tpu.dma_semaphore, #tpu.memory_space<semaphore_mem>>) src(%arg7 : memref<512xf32, #tpu.memory_space<vmem>>) dst(%dma_wait3A_1463 : memref<512xf32, #tpu.memory_space<hbm>>)
      tpu.yield
    }) : () -> ()
    return
  }
}

module attributes {stable_mosaic.version = 14 : i64} {
  func.func @body(%arg0: i32, %arg1: memref<7x7x64x512xf32, #tpu.memory_space<vmem>>, %arg2: memref<64x64xf32, #tpu.memory_space<vmem>>, %arg3: memref<7x7x64x512xf32, #tpu.memory_space<vmem>>) attributes {dimension_semantics = [#tpu.dimension_semantics<arbitrary>], iteration_bounds = array<i64: 4>, scalar_prefetch = 0 : i64, scratch_operands = 0 : i64, tpu.core_type = #tpu.core_type<tc>, window_params = [{transform_indices = @transform_0, window_bounds = array<i64: 7, 7, 64, 512>}, {transform_indices = @transform_1, window_bounds = array<i64: 64, 64>}, {transform_indices = @transform_2, window_bounds = array<i64: 7, 7, 64, 512>}]} {
    %get3A = arith.constant 0 : index
    %get3A_0 = arith.constant 0 : index
    %get3A_1 = vector.load %arg2[%get3A, %get3A_0] : memref<64x64xf32, #tpu.memory_space<vmem>>, vector<64x64xf32>
    %slice3A = vector.extract_strided_slice %get3A_1 {offsets = [0, 0], sizes = [64, 49], strides = [1, 1]} : vector<64x64xf32> to vector<64x49xf32>
    %transpose3A = tpu.transpose %slice3A, [1, 0] : vector<64x49xf32> -> vector<49x64xf32>
    %gt3A = arith.constant 5.000000e-01 : f32
    %gt3A_2 = vector.broadcast %gt3A : f32 to vector<49x64xf32>
    %gt3A_3 = arith.cmpf ogt, %transpose3A, %gt3A_2 : vector<49x64xf32>
    %broadcast_in_dim3A = arith.constant 0.000000e+00 : f32
    %broadcast_in_dim3A_4 = vector.broadcast %broadcast_in_dim3A : f32 to vector<49x64xf32>
    %select_n3A = arith.select %gt3A_3, %transpose3A, %broadcast_in_dim3A_4 : vector<49x64xi1>, vector<49x64xf32>
    %reshape3A = vector.shape_cast %select_n3A : vector<49x64xf32> to vector<7x7x64xf32>
    %broadcast_in_dim3A_5 = vector.shape_cast %reshape3A : vector<7x7x64xf32> to vector<7x7x64x1xf32>
    %get3A_6 = arith.constant 0 : index
    %get3A_7 = arith.constant 0 : index
    %get3A_8 = arith.constant 0 : index
    %get3A_9 = arith.constant 0 : index
    %get3A_10 = vector.load %arg1[%get3A_6, %get3A_7, %get3A_8, %get3A_9] : memref<7x7x64x512xf32, #tpu.memory_space<vmem>>, vector<7x7x64x512xf32>
    %sub3A = vector.broadcast %broadcast_in_dim3A_5 : vector<7x7x64x1xf32> to vector<7x7x64x512xf32>
    %sub3A_11 = arith.subf %get3A_10, %sub3A : vector<7x7x64x512xf32>
    %swap3A = arith.constant 0 : index
    %swap3A_12 = arith.constant 0 : index
    %swap3A_13 = arith.constant 0 : index
    %swap3A_14 = arith.constant 0 : index
    %swap3A_15 = vector.load %arg3[%swap3A, %swap3A_12, %swap3A_13, %swap3A_14] : memref<7x7x64x512xf32, #tpu.memory_space<vmem>>, vector<7x7x64x512xf32>
    tpu.vector_store %arg3[%swap3A, %swap3A_12, %swap3A_13, %swap3A_14], %sub3A_11 {strides = array<i32>} : memref<7x7x64x512xf32, #tpu.memory_space<vmem>>, vector<7x7x64x512xf32>,
    return
  }
  func.func @transform_0(%arg0: i32) -> (i32, i32, i32, i32) {
    %c0_i32 = arith.constant 0 : i32
    %c0_i32_0 = arith.constant 0 : i32
    %c0_i32_1 = arith.constant 0 : i32
    %c0_i32_2 = arith.constant 0 : i32
    return %c0_i32, %c0_i32_0, %arg0, %c0_i32_1 : i32, i32, i32, i32
  }
  func.func @transform_1(%arg0: i32) -> (i32, i32) {
    %c0_i32 = arith.constant 0 : i32
    %c0_i32_0 = arith.constant 0 : i32
    return %arg0, %c0_i32 : i32, i32
  }
  func.func @transform_2(%arg0: i32) -> (i32, i32, i32, i32) {
    %c0_i32 = arith.constant 0 : i32
    %c0_i32_0 = arith.constant 0 : i32
    %c0_i32_1 = arith.constant 0 : i32
    %c0_i32_2 = arith.constant 0 : i32
    return %c0_i32, %c0_i32_0, %arg0, %c0_i32_1 : i32, i32, i32, i32
  }
}

</mosaic_0001>

<sc_bundles>
// kernel: kernel.4.cloned.1.call-start
scs
__scs_entry_jumppad:
0x0: {  	(pc) =	sbr.rel $0x88, $3  }
0x1: {  	(tag) =	ssettag $0x0;
	lr =	simm.s32 $0x1  }
0x2: {  	[smem:$0x3F9E] =	sst lr;
	_ =	strace $0xD0000000  }
0x3: {  	_ = 	snop  }
0x4: {  	_ = 	snop  }
0x5: {  	_ = 	snop  }
0x6: {  	_ = 	snop  }
0x7: {  	_ = 	snop  }
__scs_overlays_trampoline_lowered:
0x8: {  	[smem:$0x3FAD] =	sst s0  }
0x9: {  	[smem:$0x3FAE] =	sst s1  }
0xa: {  	[smem:$0x3FAF] =	sst s2  }
0xb: {  	[smem:$0x3FB0] =	sst s3  }
0xc: {  	[smem:$0x3FB1] =	sst s4  }
0xd: {  	[smem:$0x3FB2] =	sst s5  }
0xe: {  	[smem:$0x3FB3] =	sst s6  }
0xf: {  	[smem:$0x3FB4] =	sst s7  }
0x10: {  	[smem:$0x3FB5] =	sst s8  }
0x11: {  	[smem:$0x3FB6] =	sst s9;
	s0 =	simm.s32 @!p0 $0x0  }
0x12: {  	s1 =	sld [smem:$0x3F9C];
	s0 =	simm.s32 @p0 $0x1  }
0x13: {  	[smem:$0x3FB7] =	sst s0;
	s0 =	simm.s32 @!p1 $0x0  }
0x14: {  	s2 =	sld [smem:$0x3F9B];
	s0 =	simm.s32 @p1 $0x1  }
0x15: {  	[smem:$0x3FB8] =	sst s0;
	s0 =	simm.s32 @!p2 $0x0  }
0x16: {  	s3 =	sld [smem:$0x3FDB];
	s0 =	simm.s32 @p2 $0x1  }
0x17: {  	s4 =	simm.s32 $0x1BF5;
	[smem:$0x3FBA] =	sst s0  }
0x18: {  	s0 =	sld [smem:$0x3F9D];
	_ =	swait.ge [sflag:s4], $0x0  }
0x19: {  	s7 =	sld [smem:$0x3F9E]  }
0x1a: {  	s8 =	sadd.s32 $0xFFFFE003, lr  }
0x1b: {  	s9 =	sadd.s32 $0xFFFFFEF7, lr;
	s5 =	simm.s32 $0xFFFFFFFF;
	p2 =	slt.u32 s8, $0xFFFFF086  }
0x1c: {  	p1 =	slt.u32 s9, $0xF7A;
	s5 =	simm.s32 @!p2 $0x0  }
0x1d: {  	s5 =	simm.s32 @p1 $0x1;
	p0 =	seq.s32 s7, s2  }
0x1e: {  	s7 =	smul.u32 @!p0 $0xF7A, s2;
	p2 =	seq.s32 @!p0 s5, $0x0  }
0x1f: {  	s9 =	smul.u32 $0xF7A, s1;
	s8 =	simm.s32 @!p0 $0x1BF5;
	p2 =	por !p2, p0  }
0x20: {  	[sflag:s8] =	ssyncset.s32 @!p0 $0xFFFFF086;
	s6 =	sadd.s32 @!p0 s3, s7;
	s7 =	simm.s32 @!p0 $0x108  }
0x21: {  	s3 =	sadd.s32 s3, s9;
	s6 =	sadd.s32 @!p0 $0x88, s6;
	s7 =	simm.s32 @p2 $0x1082  }
0x22: {  	[simem:s7], [sflag:s8] =	dma.local @!p0 [hbm:s6], $0xF7A  }
0x23: {  	s9 =	sor.u32 $0xD0000000, s2;
	s6 =	simm.s32 $0x108;
	_ =	swait.ge @!p0 [sflag:s8], $0x0  }
0x24: {  	s3 =	sadd.s32 $0x88, s3;
	s6 =	simm.s32 @!p1 $0x1082;
	[sflag:s4] =	ssyncset.s32 $0xFFFFF086  }
0x25: {  	[simem:s6], [sflag:s4] =	dma.local [hbm:s3], $0xF7A  }
0x26: {  	[smem:$0x3F9E] =	sst s1;
	(tag) =	ssettag s2;
	_ =	strace s9  }
0x27: {  	s1 =	sld [smem:$0x3FAE]  }
0x28: {  	s2 =	sld [smem:$0x3FAF]  }
0x29: {  	s4 =	sld [smem:$0x3FB1]  }
0x2a: {  	p0 =	seq.s32 s5, $0x0;
	s5 =	sld [smem:$0x3FB2]  }
0x2b: {  	s6 =	sld [smem:$0x3FB3]  }
0x2c: {  	s7 =	sld [smem:$0x3FB4]  }
0x2d: {  	s3 =	simm.s32 $0x108;
	s8 =	sld [smem:$0x3FB5]  }
0x2e: {  	s3 =	simm.s32 @!p0 $0x1082;
	s9 =	sld [smem:$0x3FB6]  }
0x2f: {  	lr =	sadd.s32 s0, s3;
	s0 =	sld [smem:$0x3FAD]  }
0x30: {  	s3 =	sld [smem:$0x3FB0]  }
0x31: {  	[smem:$0x3FB9] =	sst s10  }
0x32: {  	s10 =	sld [smem:$0x3FB7];
	_ =	sdelay $0x3  }
0x33: {  	p0 =	seq.s32 s10, $0x1;
	s10 =	sld [smem:$0x3FB9];
	_ =	sdelay $0x3  }
0x34: {  	[smem:$0x3FB9] =	sst s10  }
0x35: {  	s10 =	sld [smem:$0x3FB8];
	_ =	sdelay $0x3  }
0x36: {  	p1 =	seq.s32 s10, $0x1;
	s10 =	sld [smem:$0x3FB9];
	_ =	sdelay $0x3  }
0x37: {  	[smem:$0x3FB9] =	sst s10  }
0x38: {  	s10 =	sld [smem:$0x3FBA]  }
0x39: {  	_ = 	snop;
	(pc) =	sbr.ind lr, $3  }
0x3a: {  	_ = 	snop  }
0x3b: {  	_ = 	snop  }
0x3c: {  	p2 =	seq.s32 s10, $0x1;
	s10 =	sld [smem:$0x3FB9]  }
0x3d: {  	_ =	shalt  }
0x3e: {  	_ =	shalt  }
0x3f: {  	_ =	shalt  }
0x40: {  	_ =	shalt  }
0x41: {  	_ =	shalt  }
0x42: {  	_ =	shalt  }
0x43: {  	_ =	shalt  }
0x44: {  	_ =	shalt  }
0x45: {  	_ =	shalt  }
0x46: {  	_ =	shalt  }
0x47: {  	_ =	shalt  }
0x48: {  	_ =	shalt  }
0x49: {  	_ =	shalt  }
0x4a: {  	_ =	shalt  }
0x4b: {  	_ =	shalt  }
0x4c: {  	_ =	shalt  }
0x4d: {  	_ =	shalt  }
0x4e: {  	_ =	shalt  }
0x4f: {  	_ =	shalt  }
0x50: {  	_ =	shalt  }
0x51: {  	_ =	shalt  }
0x52: {  	_ =	shalt  }
0x53: {  	_ =	shalt  }
0x54: {  	_ =	shalt  }
0x55: {  	_ =	shalt  }
0x56: {  	_ =	shalt  }
0x57: {  	_ =	shalt  }
0x58: {  	_ =	shalt  }
0x59: {  	_ =	shalt  }
0x5a: {  	_ =	shalt  }
0x5b: {  	_ =	shalt  }
0x5c: {  	_ =	shalt  }
0x5d: {  	_ =	shalt  }
0x5e: {  	_ =	shalt  }
0x5f: {  	_ =	shalt  }
0x60: {  	_ =	shalt  }
0x61: {  	_ =	shalt  }
0x62: {  	_ =	shalt  }
0x63: {  	_ =	shalt  }
0x64: {  	_ =	shalt  }
0x65: {  	_ =	shalt  }
0x66: {  	_ =	shalt  }
0x67: {  	_ =	shalt  }
0x68: {  	_ =	shalt  }
0x69: {  	_ =	shalt  }
0x6a: {  	_ =	shalt  }
0x6b: {  	_ =	shalt  }
0x6c: {  	_ =	shalt  }
0x6d: {  	_ =	shalt  }
0x6e: {  	_ =	shalt  }
0x6f: {  	_ =	shalt  }
0x70: {  	_ =	shalt  }
0x71: {  	_ =	shalt  }
0x72: {  	_ =	shalt  }
0x73: {  	_ =	shalt  }
0x74: {  	_ =	shalt  }
0x75: {  	_ =	shalt  }
0x76: {  	_ =	shalt  }
0x77: {  	_ =	shalt  }
0x78: {  	_ =	shalt  }
0x79: {  	_ =	shalt  }
0x7a: {  	_ =	shalt  }
0x7b: {  	_ =	shalt  }
0x7c: {  	_ =	shalt  }
0x7d: {  	_ =	shalt  }
0x7e: {  	_ =	shalt  }
0x7f: {  	_ =	shalt  }
0x80: {  	_ =	shalt  }
0x81: {  	_ =	shalt  }
0x82: {  	_ =	shalt  }
0x83: {  	_ =	shalt  }
0x84: {  	_ =	shalt  }
0x85: {  	_ =	shalt  }
0x86: {  	_ =	shalt  }
0x87: {  	_ =	shalt  }
.Lfunc_end0:
.L_simem_size_0:
called_computation_lowered:
.L_overlay_start_0:
0x88: {  	s2 =	sld [smem:$0x3FD9]  }
0x89: {  	s3 =	sld [smem:$0x3FFE];
	_ =	sdelay $0x1  }
0x8a: {  	s1 =	srdreg.scid  }
0x8b: {  	s0 =	sand.u32 $0x1, s1  }
0x8c: {  	s17 =	sshll.u32 s0, $0xA;
	s2 =	sadd.s32 s3, s2  }
0x8d: {  	s2 =	sadd.s32 s2, s17  }
0x8e: {  	[smem:$0x3FC5] =	sst s2  }
0x8f: {  	_ = 	snop  }
0x90: {  	s2 =	sld [smem:$0x3FC8]  }
0x91: {  	s18 =	sld [smem:$0x3FD0];
	(tm) =	ssettm $0x1  }
0x92: {  	s4 =	sld [smem:$0x3FFB];
	_ =	sdelay $0x3  }
0x93: {  	_ =	strace s4  }
0x94: {  	s4 =	sld [smem:$0x3FFC];
	_ =	sdelay $0x3  }
0x95: {  	_ =	strace s4  }
0x96: {  	s4 =	sld [smem:$0x3FFD];
	_ =	sdelay $0x3  }
0x97: {  	_ =	strace s4  }
0x98: {  	_ =	strace $0x8FFFFFFF  }
0x99: {  	s19 =	sld [smem:$0x3FDB];
	_ =	sdelay $0x1  }
0x9a: {  	s5 =	simm.s32 $_scs_section_size  }
0x9b: {  	s6 =	simm.s32 $_size__tile_overlayer_lowered;
	s7 =	simm.s32 $_tile_overlayer_lowered  }
0x9c: {  	s22 =	simm.s32 $0x1BFF;
	s21 =	sshll.u32 s7, $0x1;
	s4 =	sadd.s32 s5, s19  }
0x9d: {  	s8 =	simm.s32 $0x0;
	s20 =	sshll.u32 s6, $0x1;
	s6 =	sadd.s32 s21, s4  }
0x9e: {  	[timem:s8], [sflag:s22] =	dma.local [hbm:s6], s20  }
0x9f: {  	_ =	swait.ge [sflag:s22], s20  }
0xa0: {  	s5 =	ssub.s32 $0x0, s20;
	[sflag:s22] =	ssyncset.done $0x0  }
0xa1: {  	[sflag:s22] =	ssyncadd.s32 s5;
	_ =	sdelay $0x1  }
0xa2: {  	s23 =	simm.s32 $0x1B8B  }
0xa3: {  	_ =	swait.ge [sflag:s23], $0x1  }
0xa4: {  	[sflag:s23] =	ssyncset.done $0x0  }
0xa5: {  	s25 =	simm.s32 $0x1B8E;
	s24 =	sld [smem:$0x3FFE];
	[sflag:s23] =	ssyncadd.s32 $0xFFFFFFFF  }
0xa6: {  	s26 =	simm.s32 $execute0_lowered;
	[smem:$0x3FD2] =	sst s25  }
0xa7: {  	s6 =	sshll.u32 s26, $0x1;
	_ =	strace $0x80000046;
	[dreg:$0x1] =	wrdreg $0xFFFFFFFF  }
0xa8: {  	s28 =	simm.s32 $_size_execute0_lowered;
	s4 =	sadd.s32 s4, s6;
	[dreg:$0x0] =	wrdreg $0x0  }
0xa9: {  	s6 =	sshll.u32 s28, $0x1;
	[dreg:$0x2] =	wrdreg s4  }
0xaa: {  	[dreg:$0x3] =	wrdreg s6  }
0xab: {  	[dreg:$0x4] =	wrdreg $0xC0  }
0xac: {  	_ =	task [dreg:s8], $0x5FFFF  }
0xad: {  	[dreg:$0x1] =	wrdreg $0xFFFFFFFF  }
0xae: {  	[dreg:$0x0] =	wrdreg $0x60  }
0xaf: {  	[dreg:$0x2] =	wrdreg s18  }
0xb0: {  	[dreg:$0x3] =	wrdreg s2  }
0xb1: {  	[dreg:$0x4] =	wrdreg s24  }
0xb2: {  	[dreg:$0x5] =	wrdreg $0x9  }
0xb3: {  	_ =	task.clear_ibuf [dreg:s8], $0x6FFFF;
	_ =	strace $0x90000046  }
0xb4: {  	s29 =	simm.s32 $0x9;
	_ =	strace $0x80000048  }
0xb5: {  	_ =	swait.ge [sflag:s29], $0x1  }
0xb6: {  	[sflag:s29] =	ssyncadd.s32 $0xFFFFFFFF  }
0xb7: {  	_ =	strace $0x90000048  }
0xb8: {  	_ =	sfence  }
0xb9: {  	s30 =	sld [smem:$0x0];
	_ =	sdelay $0x2  }
0xba: {  	s31 =	sshll.u32 s1, $0xD;
	s1 =	sshrl.u32 s1, $0x2  }
0xbb: {  	s3 =	sand.u32 $0x4000, s31;
	s1 =	sadd.s32 s1, s30  }
0xbc: {  	s0 =	sor.u32 s3, s0;
	s1 =	sshll.u32 s1, $0x11  }
0xbd: {  	s0 =	sor.u32 s1, s0  }
0xbe: {  	s0 =	sadd.s32 $0x8F2B, s0  }
0xbf: {  	[sflag:s0] =	ssyncadd.remote.s32 $0x1  }
0xc0: {  	_ =	sfence.sel $0xFFFF  }
0xc1: {  	[dreg:$0x0] =	wrdreg $0xFFFFFFFF;
	(pc) =	sbr.abs _section_cstart, $3  }
0xc2: {  	[dreg:$0x1] =	wrdreg $0xFFFFFFFF  }
0xc3: {  	_ =	task.clear_ibuf [dreg:s8], $0x2FFFF;
	_ =	strace $0x9FFFFFFF  }
0xc4: {  	(tm) =	ssettm $0x7FFFFFFF  }
0xc5: {  	_ =	shalt  }
tec
execute0_lowered:
.L_overlay_start_1:
0x0: {  	(tag) =	ssettag $0x1  }
0x1: {  	s1 =	srdreg.scid;
	s0 =	stileid.u32  }
0x2: {  	s4 =	sand.u32 $0x1, s1;
	s21 =	sshll.u32 s0, $0x1  }
0x3: {  	s22 =	sshrl.u32 s0, $0x3;
	s5 =	sor.u32 s4, s21  }
0x4: {  	v9 =	vimm.s32 $0x76543210;
	s3 =	sshll.u32 s22, $0x7;
	s2 =	sshll.u32 s5, $0x3  }
0x5: {  	v10 =	vimm.s32 $0xFEDCBA98;
	v13 =	vimm.s32 $0xDCFE98BA;
	v0 =	vmov s22;
	s2 =	ssub.s32 s2, s3  }
0x6: {  	v14 =	vimm.s32 $0x54761032;
	v15 =	vimm.s32 $0xEFCDAB89;
	v6 =	vshll.u32 v0, $0xA;
	s23 =	sor.u32 $0x1, s2  }
0x7: {  	v13 =	vunpack.c.l.s4.s8 v13;
	v0 =	vadd.s32 s2, v6;
	s24 =	sor.u32 $0x2, s2;
	s25 =	sor.u32 $0x3, s2;
	s3 =	sor.u32 $0x4, s2;
	v1 =	vadd.s32 s23, v6  }
0x8: {  	s26 =	sor.u32 $0x5, s2;
	s30 =	sor.u32 $0x6, s2;
	s2 =	sor.u32 $0x7, s2;
	v2 =	vadd.s32 s24, v6;
	v3 =	vadd.s32 s25, v6;
	v4 =	vadd.s32 s3, v6  }
0x9: {  	v5 =	vadd.s32 s26, v6;
	v7 =	vadd.s32 s30, v6;
	v8 =	vadd.s32 s2, v6  }
0xa: {  	s6 =	rddreg [dreg:$0x0];
	v6 =	vbroadcast v7, $0x0;
	v7 =	vbroadcast v8, $0x0;
	v8 =	vimm.s32 $0xBA98FEDC  }
0xb: {  	s7 =	rddreg [dreg:$0x2];
	v16 =	vimm.s32 $0x67452301;
	s10 =	simm.s32 $0x40;
	s11 =	simm.s32 $0x1F40;
	v14 =	vunpack.c.l.s4.s8 v14;
	v11 =	vunpack.c.l.s4.s8 v8  }
0xc: {  	s12 =	simm.s32 $0x2140;
	s13 =	simm.s32 $0x1F80;
	s14 =	simm.s32 $0x2180;
	v12 =	vunpack.c.l.s4.s8 v9;
	v9 =	vunpack.c.l.s4.s8 v10;
	v13 =	vunpack.c.0.s8.s32 v13  }
0xd: {  	s15 =	simm.s32 $0x1FC0;
	s16 =	simm.s32 $0x21C0;
	s17 =	simm.s32 $0x2000;
	v14 =	vunpack.c.0.s8.s32 v14;
	v10 =	vunpack.c.0.s8.s32 v11;
	v11 =	vimm.s32 $0x32107654  }
0xe: {  	s18 =	simm.s32 $0x2200;
	s19 =	simm.s32 $0x2040;
	s20 =	simm.s32 $0x2240;
	v15 =	vunpack.c.l.s4.s8 v15;
	v16 =	vunpack.c.l.s4.s8 v16;
	v11 =	vunpack.c.l.s4.s8 v11  }
0xf: {  	s28 =	simm.s32 $0x1;
	s29 =	simm.s32 $0x0;
	s1 =	rddreg [dreg:$0x1];
	v17 =	vunpack.c.0.s8.s32 v9;
	v12 =	vunpack.c.0.s8.s32 v12;
	v13 =	vcombine.low v14, v13  }
0x10: {  	s4 =	ssub.s32 $0x2, s4;
	s21 =	simm.s32 $0x2080;
	s22 =	simm.s32 $0x2280;
	v0 =	vbroadcast v0, $0x0;
	v1 =	vbroadcast v1, $0x0;
	v11 =	vunpack.c.0.s8.s32 v11  }
0x11: {  	s8 =	smul.u32 $0x3E8, s5;
	s5 =	sshll.u32 s5, $0x6;
	s9 =	sshrl.u32 s4, $0x1;
	v14 =	vand.u32 $0xF, v17;
	v2 =	vbroadcast v2, $0x0;
	v3 =	vbroadcast v3, $0x0  }
0x12: {  	s5 =	sadd.s32 s5, s7;
	s31 =	ssub.s32 s4, s9;
	s7 =	simm.s32 $0x2;
	v18 =	vcombine.low v11, v10;
	v10 =	vunpack.c.0.s8.s32 v15;
	v11 =	vunpack.c.0.s8.s32 v16  }
0x13: {  	s9 =	simm.s32 $0x2350;
	s4 =	sadd.s32 s6, s8;
	s5 =	sadd.s32 $0x400, s5;
	v4 =	vbroadcast v4, $0x0;
	v5 =	vbroadcast v5, $0x0;
	v8 =	vlaneseq.u32  }
0x14: {  	s8 =	simm.s32 $0x2340;
	s3 =	simm.s32 $0x0;
	s23 =	simm.s32 $0x20C0;
	v13 =	vand.u32 $0xF, v13;
	v15 =	vcombine.low v11, v10;
	v10 =	vmul.u32 $0x3E800, v8  }
0x15: {  	s24 =	simm.s32 $0x22C0;
	s25 =	simm.s32 $0x2100;
	[smem:$0x7FF] =	sst s3;
	v9 =	vadd.s32 $0x3D8, v8;
	v11 =	vcombine.low v14, v12;
	v12 =	vand.u32 $0xF, v18  }
0x16: {  	s6 =	smax.u32 s31, $0x1;
	s26 =	simm.s32 $0x2300;
	_ =	strace $0x80000047;
	v14 =	vand.u32 $0xF, v15;
	v15 =	vadd.s32 $0x3E8000, v10;
	v16 =	vadd.s32 $0x7D0000, v10  }
.LBB2_1:
0x17: {  	[tilespmem:s3], [sflag:$0x2] =	stream.linear.gather [hbm4b:s4+s3], $0x1F40, $0x38;
	[tilespmem:$0x2360] =	vst v63  }
0x18: {  	_ =	swait.ge [sflag:s7], $0x1F40  }
0x19: {  	[sflag:s7] =	ssyncset.done $0x0  }
0x1a: {  	[sflag:s7] =	ssyncadd.s32 $0xFFFFE0C0  }
0x1b: {  	v18 =	vld [tilespmem:s3+$0x0];
	_ =	sdelay $0x3  }
0x1c: {  	v19 =	vimm.f32 $-Inf  }
0x1d: {  	v17 =	vimm.s32 $0x0;
	s30 =	simm.s32 $0x10;
	v20 =	vor.u32 s3, v8;
	s31 =	simm.s32 $0x10;
	vm0 =	vgt.f32 v18, v19  }
.LBB2_2:
0x1e: {  	p0 =	sne.s32 s30, $0x3D0;
	v19 =	vsel vm0, v18, v19;
	v18 =	vld [tilespmem:s31+$0x0];
	v17 =	vsel vm0, v20, v17;
	s2 =	smov.u32 s30;
	s30 =	sadd.s32 $0x10, s30  }
.Ltmp0:
0x1f: {  	(pc) =	sbr.rel @p0 .LBB2_2-.Ltmp0, $2  }
0x20: {  	_ =	sdelay $0x2  }
0x21: {  	s31 =	sadd.s32 $0x10, s31;
	v20 =	vor.u32 s2, v8;
	vm0 =	vgt.f32 v18, v19  }
0x22: {  	v21 =	vld [tilespmem:$0x3D8];
	_ =	sdelay $0x3  }
0x23: {  	v18 =	vsel vm0, v18, v19  }
0x24: {  	vm1 =	vgt.f32 v21, v18  }
0x25: {  	v17 =	vsel vm0, v20, v17;
	v18 =	vsel vm1, v21, v18  }
0x26: {  	v17 =	vsel vm1, v9, v17;
	[tilespmem:$0x2340] =	vst v18  }
0x27: {  	[tilespmem:$0x2350] =	vst v17  }
0x28: {  	v19 =	vld.idx.msk [tilespmem:v11+s8+$0x0], $0xffff  }
0x29: {  	v20 =	vld.idx.msk [tilespmem:v11+s9+$0x0], $0xffff;
	_ =	sdelay $0x4  }
0x2a: {  	vm0 =	veq.f32 v19, v18;
	vm1 =	vlt.s32 v20, v17  }
0x2b: {  	vm2 =	vgt.f32 v19, v18;
	vm0 =	vmand vm0, vm1  }
0x2c: {  	vm0 =	vmor vm2, vm0  }
0x2d: {  	v18 =	vsel vm0, v19, v18  }
0x2e: {  	v17 =	vsel vm0, v20, v17;
	[tilespmem:$0x2340] =	vst v18  }
0x2f: {  	[tilespmem:$0x2350] =	vst v17  }
0x30: {  	v19 =	vld.idx.msk [tilespmem:v12+s8+$0x0], $0xffff  }
0x31: {  	v20 =	vld.idx.msk [tilespmem:v12+s9+$0x0], $0xffff;
	_ =	sdelay $0x4  }
0x32: {  	vm0 =	veq.f32 v19, v18;
	vm1 =	vlt.s32 v20, v17  }
0x33: {  	vm2 =	vgt.f32 v19, v18;
	vm0 =	vmand vm0, vm1  }
0x34: {  	vm0 =	vmor vm2, vm0  }
0x35: {  	v18 =	vsel vm0, v19, v18  }
0x36: {  	v17 =	vsel vm0, v20, v17;
	[tilespmem:$0x2340] =	vst v18  }
0x37: {  	[tilespmem:$0x2350] =	vst v17  }
0x38: {  	v19 =	vld.idx.msk [tilespmem:v13+s8+$0x0], $0xffff  }
0x39: {  	v20 =	vld.idx.msk [tilespmem:v13+s9+$0x0], $0xffff;
	_ =	sdelay $0x4  }
0x3a: {  	vm0 =	veq.f32 v19, v18;
	vm1 =	vlt.s32 v20, v17  }
0x3b: {  	vm2 =	vgt.f32 v19, v18;
	vm0 =	vmand vm0, vm1  }
0x3c: {  	vm0 =	vmor vm2, vm0  }
0x3d: {  	v18 =	vsel vm0, v19, v18  }
0x3e: {  	v17 =	vsel vm0, v20, v17;
	[tilespmem:$0x2340] =	vst v18  }
0x3f: {  	[tilespmem:$0x2350] =	vst v17  }
0x40: {  	v19 =	vld.idx.msk [tilespmem:v14+s8+$0x0], $0xffff  }
0x41: {  	v20 =	vld.idx.msk [tilespmem:v14+s9+$0x0], $0xffff;
	_ =	sdelay $0x4  }
0x42: {  	vm0 =	veq.f32 v19, v18;
	vm1 =	vlt.s32 v20, v17  }
0x43: {  	vm2 =	vgt.f32 v19, v18;
	vm0 =	vmand vm0, vm1  }
0x44: {  	vm0 =	vmor vm2, vm0  }
0x45: {  	v17 =	vsel vm0, v20, v17  }
0x46: {  	v18 =	vshra.s32 v17, $0x1F  }
0x47: {  	v18 =	vshrl.u32 v18, $0x1D  }
0x48: {  	v18 =	vadd.s32 v18, v17  }
0x49: {  	v17 =	vshll.u32 v17, $0x7;
	v18 =	vshra.s32 v18, $0x3  }
0x4a: {  	v17 =	vadd.s32 v17, v0;
	v19 =	vshll.u32 v18, $0xB  }
0x4b: {  	v18 =	vshll.u32 v18, $0xA;
	v17 =	vadd.s32 v19, v17  }
0x4c: {  	v17 =	vsub.s32 v17, v18  }
0x4d: {  	v18 =	vadd.s32 v10, v17  }
0x4e: {  	[tilespmem:$0x1F40] =	vst v18;
	v18 =	vadd.s32 v15, v17  }
0x4f: {  	[tilespmem:$0x1F50] =	vst v18;
	v18 =	vadd.s32 v16, v17  }
0x50: {  	v17 =	vadd.s32 $0xBB8000, v17;
	[tilespmem:$0x1F60] =	vst v18  }
0x51: {  	s2 =	simm.s32 $0x3E8;
	[tilespmem:$0x1F70] =	vst v17  }
0x52: {  	[tilespmem:s12], [sflag:$0x1] =	stream.indirect.gather [hbm4b:s1+s10], $0x1, s11, s10, $0xb8;
	[tilespmem:$0x2360] =	vst v63  }
0x53: {  	v17 =	vld [tilespmem:s2+$0x0];
	_ =	sdelay $0x3  }
0x54: {  	v18 =	vimm.f32 $-Inf;
	s2 =	simm.s32 $0x0  }
0x55: {  	s30 =	simm.s32 $0x10;
	s31 =	simm.s32 $0x3F8;
	v19 =	vimm.s32 $0x0;
	v20 =	vor.u32 s2, v8;
	vm0 =	vgt.f32 v17, v18  }
.LBB2_4:
0x56: {  	p0 =	sne.s32 s30, $0x3D0;
	v18 =	vsel vm0, v17, v18;
	v17 =	vld [tilespmem:s31+$0x0];
	v19 =	vsel vm0, v20, v19;
	s2 =	smov.u32 s30;
	s30 =	sadd.s32 $0x10, s30  }
.Ltmp1:
0x57: {  	(pc) =	sbr.rel @p0 .LBB2_4-.Ltmp1, $2  }
0x58: {  	_ =	sdelay $0x2  }
0x59: {  	s31 =	sadd.s32 $0x10, s31;
	v20 =	vor.u32 s2, v8;
	vm0 =	vgt.f32 v17, v18  }
0x5a: {  	v21 =	vld [tilespmem:$0x7C0];
	_ =	sdelay $0x3  }
0x5b: {  	v17 =	vsel vm0, v17, v18  }
0x5c: {  	vm1 =	vgt.f32 v21, v17  }
0x5d: {  	v18 =	vsel vm0, v20, v19;
	v17 =	vsel vm1, v21, v17  }
0x5e: {  	v18 =	vsel vm1, v9, v18;
	[tilespmem:$0x2340] =	vst v17  }
0x5f: {  	[tilespmem:$0x2350] =	vst v18  }
0x60: {  	v19 =	vld.idx.msk [tilespmem:v11+s8+$0x0], $0xffff  }
0x61: {  	v20 =	vld.idx.msk [tilespmem:v11+s9+$0x0], $0xffff;
	_ =	sdelay $0x4  }
0x62: {  	vm0 =	veq.f32 v19, v17;
	vm1 =	vlt.s32 v20, v18  }
0x63: {  	vm2 =	vgt.f32 v19, v17;
	vm0 =	vmand vm0, vm1  }
0x64: {  	vm0 =	vmor vm2, vm0  }
0x65: {  	v17 =	vsel vm0, v19, v17  }
0x66: {  	v18 =	vsel vm0, v20, v18;
	[tilespmem:$0x2340] =	vst v17  }
0x67: {  	[tilespmem:$0x2350] =	vst v18  }
0x68: {  	v19 =	vld.idx.msk [tilespmem:v12+s8+$0x0], $0xffff  }
0x69: {  	v20 =	vld.idx.msk [tilespmem:v12+s9+$0x0], $0xffff;
	_ =	sdelay $0x4  }
0x6a: {  	vm0 =	veq.f32 v19, v17;
	vm1 =	vlt.s32 v20, v18  }
0x6b: {  	vm2 =	vgt.f32 v19, v17;
	vm0 =	vmand vm0, vm1  }
0x6c: {  	vm0 =	vmor vm2, vm0  }
0x6d: {  	v17 =	vsel vm0, v19, v17  }
0x6e: {  	v18 =	vsel vm0, v20, v18;
	[tilespmem:$0x2340] =	vst v17  }
0x6f: {  	[tilespmem:$0x2350] =	vst v18  }
0x70: {  	v19 =	vld.idx.msk [tilespmem:v13+s8+$0x0], $0xffff  }
0x71: {  	v20 =	vld.idx.msk [tilespmem:v13+s9+$0x0], $0xffff;
	_ =	sdelay $0x4  }
0x72: {  	vm0 =	veq.f32 v19, v17;
	vm1 =	vlt.s32 v20, v18  }
0x73: {  	vm2 =	vgt.f32 v19, v17;
	vm0 =	vmand vm0, vm1  }
0x74: {  	vm0 =	vmor vm2, vm0  }
0x75: {  	v17 =	vsel vm0, v19, v17  }
0x76: {  	v18 =	vsel vm0, v20, v18;
	[tilespmem:$0x2340] =	vst v17  }
0x77: {  	[tilespmem:$0x2350] =	vst v18  }
0x78: {  	v19 =	vld.idx.msk [tilespmem:v14+s8+$0x0], $0xffff  }
0x79: {  	v20 =	vld.idx.msk [tilespmem:v14+s9+$0x0], $0xffff;
	_ =	sdelay $0x4  }
0x7a: {  	vm0 =	veq.f32 v19, v17;
	vm1 =	vlt.s32 v20, v18  }
0x7b: {  	vm2 =	vgt.f32 v19, v17;
	vm0 =	vmand vm0, vm1  }
0x7c: {  	vm0 =	vmor vm2, vm0  }
0x7d: {  	v17 =	vsel vm0, v20, v18  }
0x7e: {  	v18 =	vshra.s32 v17, $0x1F  }
0x7f: {  	v18 =	vshrl.u32 v18, $0x1D  }
0x80: {  	v18 =	vadd.s32 v18, v17  }
0x81: {  	v17 =	vshll.u32 v17, $0x7;
	v18 =	vshra.s32 v18, $0x3  }
0x82: {  	v17 =	vadd.s32 v17, v1;
	v19 =	vshll.u32 v18, $0xB  }
0x83: {  	v18 =	vshll.u32 v18, $0xA;
	v17 =	vadd.s32 v19, v17  }
0x84: {  	v17 =	vsub.s32 v17, v18  }
0x85: {  	v18 =	vadd.s32 v10, v17  }
0x86: {  	[tilespmem:$0x1F80] =	vst v18;
	v18 =	vadd.s32 v15, v17  }
0x87: {  	[tilespmem:$0x1F90] =	vst v18;
	v18 =	vadd.s32 v16, v17  }
0x88: {  	v17 =	vadd.s32 $0xBB8000, v17;
	[tilespmem:$0x1FA0] =	vst v18  }
0x89: {  	s2 =	simm.s32 $0x7D0;
	[tilespmem:$0x1FB0] =	vst v17  }
0x8a: {  	[tilespmem:s14], [sflag:$0x1] =	stream.indirect.gather [hbm4b:s1+s10], $0x1, s13, s10, $0xb8;
	[tilespmem:$0x2360] =	vst v63  }
0x8b: {  	v17 =	vld [tilespmem:s2+$0x0];
	_ =	sdelay $0x3  }
0x8c: {  	v18 =	vimm.f32 $-Inf;
	s2 =	simm.s32 $0x0  }
0x8d: {  	s30 =	simm.s32 $0x10;
	s31 =	simm.s32 $0x7E0;
	v19 =	vimm.s32 $0x0;
	v20 =	vor.u32 s2, v8;
	vm0 =	vgt.f32 v17, v18  }
.LBB2_6:
0x8e: {  	p0 =	sne.s32 s30, $0x3D0;
	v18 =	vsel vm0, v17, v18;
	v17 =	vld [tilespmem:s31+$0x0];
	v19 =	vsel vm0, v20, v19;
	s2 =	smov.u32 s30;
	s30 =	sadd.s32 $0x10, s30  }
.Ltmp2:
0x8f: {  	(pc) =	sbr.rel @p0 .LBB2_6-.Ltmp2, $2  }
0x90: {  	_ =	sdelay $0x2  }
0x91: {  	s31 =	sadd.s32 $0x10, s31;
	v20 =	vor.u32 s2, v8;
	vm0 =	vgt.f32 v17, v18  }
0x92: {  	v21 =	vld [tilespmem:$0xBA8];
	_ =	sdelay $0x3  }
0x93: {  	v17 =	vsel vm0, v17, v18  }
0x94: {  	vm1 =	vgt.f32 v21, v17  }
0x95: {  	v18 =	vsel vm0, v20, v19;
	v17 =	vsel vm1, v21, v17  }
0x96: {  	v18 =	vsel vm1, v9, v18;
	[tilespmem:$0x2340] =	vst v17  }
0x97: {  	[tilespmem:$0x2350] =	vst v18  }
0x98: {  	v19 =	vld.idx.msk [tilespmem:v11+s8+$0x0], $0xffff  }
0x99: {  	v20 =	vld.idx.msk [tilespmem:v11+s9+$0x0], $0xffff;
	_ =	sdelay $0x4  }
0x9a: {  	vm0 =	veq.f32 v19, v17;
	vm1 =	vlt.s32 v20, v18  }
0x9b: {  	vm2 =	vgt.f32 v19, v17;
	vm0 =	vmand vm0, vm1  }
0x9c: {  	vm0 =	vmor vm2, vm0  }
0x9d: {  	v17 =	vsel vm0, v19, v17  }
0x9e: {  	v18 =	vsel vm0, v20, v18;
	[tilespmem:$0x2340] =	vst v17  }
0x9f: {  	[tilespmem:$0x2350] =	vst v18  }
0xa0: {  	v19 =	vld.idx.msk [tilespmem:v12+s8+$0x0], $0xffff  }
0xa1: {  	v20 =	vld.idx.msk [tilespmem:v12+s9+$0x0], $0xffff;
	_ =	sdelay $0x4  }
0xa2: {  	vm0 =	veq.f32 v19, v17;
	vm1 =	vlt.s32 v20, v18  }
0xa3: {  	vm2 =	vgt.f32 v19, v17;
	vm0 =	vmand vm0, vm1  }
0xa4: {  	vm0 =	vmor vm2, vm0  }
0xa5: {  	v17 =	vsel vm0, v19, v17  }
0xa6: {  	v18 =	vsel vm0, v20, v18;
	[tilespmem:$0x2340] =	vst v17  }
0xa7: {  	[tilespmem:$0x2350] =	vst v18  }
0xa8: {  	v19 =	vld.idx.msk [tilespmem:v13+s8+$0x0], $0xffff  }
0xa9: {  	v20 =	vld.idx.msk [tilespmem:v13+s9+$0x0], $0xffff;
	_ =	sdelay $0x4  }
0xaa: {  	vm0 =	veq.f32 v19, v17;
	vm1 =	vlt.s32 v20, v18  }
0xab: {  	vm2 =	vgt.f32 v19, v17;
	vm0 =	vmand vm0, vm1  }
0xac: {  	vm0 =	vmor vm2, vm0  }
0xad: {  	v17 =	vsel vm0, v19, v17  }
0xae: {  	v18 =	vsel vm0, v20, v18;
	[tilespmem:$0x2340] =	vst v17  }
0xaf: {  	[tilespmem:$0x2350] =	vst v18  }
0xb0: {  	v19 =	vld.idx.msk [tilespmem:v14+s8+$0x0], $0xffff  }
0xb1: {  	v20 =	vld.idx.msk [tilespmem:v14+s9+$0x0], $0xffff;
	_ =	sdelay $0x4  }
0xb2: {  	vm0 =	veq.f32 v19, v17;
	vm1 =	vlt.s32 v20, v18  }
0xb3: {  	vm2 =	vgt.f32 v19, v17;
	vm0 =	vmand vm0, vm1  }
0xb4: {  	vm0 =	vmor vm2, vm0  }
0xb5: {  	v17 =	vsel vm0, v20, v18  }
0xb6: {  	v18 =	vshra.s32 v17, $0x1F  }
0xb7: {  	v18 =	vshrl.u32 v18, $0x1D  }
0xb8: {  	v18 =	vadd.s32 v18, v17  }
0xb9: {  	v17 =	vshll.u32 v17, $0x7;
	v18 =	vshra.s32 v18, $0x3  }
0xba: {  	v17 =	vadd.s32 v17, v2;
	v19 =	vshll.u32 v18, $0xB  }
0xbb: {  	v18 =	vshll.u32 v18, $0xA;
	v17 =	vadd.s32 v19, v17  }
0xbc: {  	v17 =	vsub.s32 v17, v18  }
0xbd: {  	v18 =	vadd.s32 v10, v17  }
0xbe: {  	[tilespmem:$0x1FC0] =	vst v18;
	v18 =	vadd.s32 v15, v17  }
0xbf: {  	[tilespmem:$0x1FD0] =	vst v18;
	v18 =	vadd.s32 v16, v17  }
0xc0: {  	v17 =	vadd.s32 $0xBB8000, v17;
	[tilespmem:$0x1FE0] =	vst v18  }
0xc1: {  	s2 =	simm.s32 $0xBB8;
	[tilespmem:$0x1FF0] =	vst v17  }
0xc2: {  	[tilespmem:s16], [sflag:$0x1] =	stream.indirect.gather [hbm4b:s1+s10], $0x1, s15, s10, $0xb8;
	[tilespmem:$0x2360] =	vst v63  }
0xc3: {  	v17 =	vld [tilespmem:s2+$0x0];
	_ =	sdelay $0x3  }
0xc4: {  	v18 =	vimm.f32 $-Inf;
	s2 =	simm.s32 $0x0  }
0xc5: {  	s30 =	simm.s32 $0x10;
	s31 =	simm.s32 $0xBC8;
	v19 =	vimm.s32 $0x0;
	v20 =	vor.u32 s2, v8;
	vm0 =	vgt.f32 v17, v18  }
.LBB2_8:
0xc6: {  	p0 =	sne.s32 s30, $0x3D0;
	v18 =	vsel vm0, v17, v18;
	v17 =	vld [tilespmem:s31+$0x0];
	v19 =	vsel vm0, v20, v19;
	s2 =	smov.u32 s30;
	s30 =	sadd.s32 $0x10, s30  }
.Ltmp3:
0xc7: {  	(pc) =	sbr.rel @p0 .LBB2_8-.Ltmp3, $2  }
0xc8: {  	_ =	sdelay $0x2  }
0xc9: {  	s31 =	sadd.s32 $0x10, s31;
	v20 =	vor.u32 s2, v8;
	vm0 =	vgt.f32 v17, v18  }
0xca: {  	v21 =	vld [tilespmem:$0xF90];
	_ =	sdelay $0x3  }
0xcb: {  	v17 =	vsel vm0, v17, v18  }
0xcc: {  	vm1 =	vgt.f32 v21, v17  }
0xcd: {  	v18 =	vsel vm0, v20, v19;
	v17 =	vsel vm1, v21, v17  }
0xce: {  	v18 =	vsel vm1, v9, v18;
	[tilespmem:$0x2340] =	vst v17  }
0xcf: {  	[tilespmem:$0x2350] =	vst v18  }
0xd0: {  	v19 =	vld.idx.msk [tilespmem:v11+s8+$0x0], $0xffff  }
0xd1: {  	v20 =	vld.idx.msk [tilespmem:v11+s9+$0x0], $0xffff;
	_ =	sdelay $0x4  }
0xd2: {  	vm0 =	veq.f32 v19, v17;
	vm1 =	vlt.s32 v20, v18  }
0xd3: {  	vm2 =	vgt.f32 v19, v17;
	vm0 =	vmand vm0, vm1  }
0xd4: {  	vm0 =	vmor vm2, vm0  }
0xd5: {  	v17 =	vsel vm0, v19, v17  }
0xd6: {  	v18 =	vsel vm0, v20, v18;
	[tilespmem:$0x2340] =	vst v17  }
0xd7: {  	[tilespmem:$0x2350] =	vst v18  }
0xd8: {  	v19 =	vld.idx.msk [tilespmem:v12+s8+$0x0], $0xffff  }
0xd9: {  	v20 =	vld.idx.msk [tilespmem:v12+s9+$0x0], $0xffff;
	_ =	sdelay $0x4  }
0xda: {  	vm0 =	veq.f32 v19, v17;
	vm1 =	vlt.s32 v20, v18  }
0xdb: {  	vm2 =	vgt.f32 v19, v17;
	vm0 =	vmand vm0, vm1  }
0xdc: {  	vm0 =	vmor vm2, vm0  }
0xdd: {  	v17 =	vsel vm0, v19, v17  }
0xde: {  	v18 =	vsel vm0, v20, v18;
	[tilespmem:$0x2340] =	vst v17  }
0xdf: {  	[tilespmem:$0x2350] =	vst v18  }
0xe0: {  	v19 =	vld.idx.msk [tilespmem:v13+s8+$0x0], $0xffff  }
0xe1: {  	v20 =	vld.idx.msk [tilespmem:v13+s9+$0x0], $0xffff;
	_ =	sdelay $0x4  }
0xe2: {  	vm0 =	veq.f32 v19, v17;
	vm1 =	vlt.s32 v20, v18  }
0xe3: {  	vm2 =	vgt.f32 v19, v17;
	vm0 =	vmand vm0, vm1  }
0xe4: {  	vm0 =	vmor vm2, vm0  }
0xe5: {  	v17 =	vsel vm0, v19, v17  }
0xe6: {  	v18 =	vsel vm0, v20, v18;
	[tilespmem:$0x2340] =	vst v17  }
0xe7: {  	[tilespmem:$0x2350] =	vst v18  }
0xe8: {  	v19 =	vld.idx.msk [tilespmem:v14+s8+$0x0], $0xffff  }
0xe9: {  	v20 =	vld.idx.msk [tilespmem:v14+s9+$0x0], $0xffff;
	_ =	sdelay $0x4  }
0xea: {  	vm0 =	veq.f32 v19, v17;
	vm1 =	vlt.s32 v20, v18  }
0xeb: {  	vm2 =	vgt.f32 v19, v17;
	vm0 =	vmand vm0, vm1  }
0xec: {  	vm0 =	vmor vm2, vm0  }
0xed: {  	v17 =	vsel vm0, v20, v18  }
0xee: {  	v18 =	vshra.s32 v17, $0x1F  }
0xef: {  	v18 =	vshrl.u32 v18, $0x1D  }
0xf0: {  	v18 =	vadd.s32 v18, v17  }
0xf1: {  	v17 =	vshll.u32 v17, $0x7;
	v18 =	vshra.s32 v18, $0x3  }
0xf2: {  	v17 =	vadd.s32 v17, v3;
	v19 =	vshll.u32 v18, $0xB  }
0xf3: {  	v18 =	vshll.u32 v18, $0xA;
	v17 =	vadd.s32 v19, v17  }
0xf4: {  	v17 =	vsub.s32 v17, v18  }
0xf5: {  	v18 =	vadd.s32 v10, v17  }
0xf6: {  	[tilespmem:$0x2000] =	vst v18;
	v18 =	vadd.s32 v15, v17  }
0xf7: {  	[tilespmem:$0x2010] =	vst v18;
	v18 =	vadd.s32 v16, v17  }
0xf8: {  	v17 =	vadd.s32 $0xBB8000, v17;
	[tilespmem:$0x2020] =	vst v18  }
0xf9: {  	s2 =	simm.s32 $0xFA0;
	[tilespmem:$0x2030] =	vst v17  }
0xfa: {  	[tilespmem:s18], [sflag:$0x1] =	stream.indirect.gather [hbm4b:s1+s10], $0x1, s17, s10, $0xb8;
	[tilespmem:$0x2360] =	vst v63  }
0xfb: {  	v17 =	vld [tilespmem:s2+$0x0];
	_ =	sdelay $0x3  }
0xfc: {  	v18 =	vimm.f32 $-Inf;
	s2 =	simm.s32 $0x0  }
0xfd: {  	s30 =	simm.s32 $0x10;
	s31 =	simm.s32 $0xFB0;
	v19 =	vimm.s32 $0x0;
	v20 =	vor.u32 s2, v8;
	vm0 =	vgt.f32 v17, v18  }
.LBB2_10:
0xfe: {  	p0 =	sne.s32 s30, $0x3D0;
	v18 =	vsel vm0, v17, v18;
	v17 =	vld [tilespmem:s31+$0x0];
	v19 =	vsel vm0, v20, v19;
	s2 =	smov.u32 s30;
	s30 =	sadd.s32 $0x10, s30  }
.Ltmp4:
0xff: {  	(pc) =	sbr.rel @p0 .LBB2_10-.Ltmp4, $2  }
0x100: {  	_ =	sdelay $0x2  }
0x101: {  	s31 =	sadd.s32 $0x10, s31;
	v20 =	vor.u32 s2, v8;
	vm0 =	vgt.f32 v17, v18  }
0x102: {  	v21 =	vld [tilespmem:$0x1378];
	_ =	sdelay $0x3  }
0x103: {  	v17 =	vsel vm0, v17, v18  }
0x104: {  	vm1 =	vgt.f32 v21, v17  }
0x105: {  	v18 =	vsel vm0, v20, v19;
	v17 =	vsel vm1, v21, v17  }
0x106: {  	v18 =	vsel vm1, v9, v18;
	[tilespmem:$0x2340] =	vst v17  }
0x107: {  	[tilespmem:$0x2350] =	vst v18  }
0x108: {  	v19 =	vld.idx.msk [tilespmem:v11+s8+$0x0], $0xffff  }
0x109: {  	v20 =	vld.idx.msk [tilespmem:v11+s9+$0x0], $0xffff;
	_ =	sdelay $0x4  }
0x10a: {  	vm0 =	veq.f32 v19, v17;
	vm1 =	vlt.s32 v20, v18  }
0x10b: {  	vm2 =	vgt.f32 v19, v17;
	vm0 =	vmand vm0, vm1  }
0x10c: {  	vm0 =	vmor vm2, vm0  }
0x10d: {  	v17 =	vsel vm0, v19, v17  }
0x10e: {  	v18 =	vsel vm0, v20, v18;
	[tilespmem:$0x2340] =	vst v17  }
0x10f: {  	[tilespmem:$0x2350] =	vst v18  }
0x110: {  	v19 =	vld.idx.msk [tilespmem:v12+s8+$0x0], $0xffff  }
0x111: {  	v20 =	vld.idx.msk [tilespmem:v12+s9+$0x0], $0xffff;
	_ =	sdelay $0x4  }
0x112: {  	vm0 =	veq.f32 v19, v17;
	vm1 =	vlt.s32 v20, v18  }
0x113: {  	vm2 =	vgt.f32 v19, v17;
	vm0 =	vmand vm0, vm1  }
0x114: {  	vm0 =	vmor vm2, vm0  }
0x115: {  	v17 =	vsel vm0, v19, v17  }
0x116: {  	v18 =	vsel vm0, v20, v18;
	[tilespmem:$0x2340] =	vst v17  }
0x117: {  	[tilespmem:$0x2350] =	vst v18  }
0x118: {  	v19 =	vld.idx.msk [tilespmem:v13+s8+$0x0], $0xffff  }
0x119: {  	v20 =	vld.idx.msk [tilespmem:v13+s9+$0x0], $0xffff;
	_ =	sdelay $0x4  }
0x11a: {  	vm0 =	veq.f32 v19, v17;
	vm1 =	vlt.s32 v20, v18  }
0x11b: {  	vm2 =	vgt.f32 v19, v17;
	vm0 =	vmand vm0, vm1  }
0x11c: {  	vm0 =	vmor vm2, vm0  }
0x11d: {  	v17 =	vsel vm0, v19, v17  }
0x11e: {  	v18 =	vsel vm0, v20, v18;
	[tilespmem:$0x2340] =	vst v17  }
0x11f: {  	[tilespmem:$0x2350] =	vst v18  }
0x120: {  	v19 =	vld.idx.msk [tilespmem:v14+s8+$0x0], $0xffff  }
0x121: {  	v20 =	vld.idx.msk [tilespmem:v14+s9+$0x0], $0xffff;
	_ =	sdelay $0x4  }
0x122: {  	vm0 =	veq.f32 v19, v17;
	vm1 =	vlt.s32 v20, v18  }
0x123: {  	vm2 =	vgt.f32 v19, v17;
	vm0 =	vmand vm0, vm1  }
0x124: {  	vm0 =	vmor vm2, vm0  }
0x125: {  	v17 =	vsel vm0, v20, v18  }
0x126: {  	v18 =	vshra.s32 v17, $0x1F  }
0x127: {  	v18 =	vshrl.u32 v18, $0x1D  }
0x128: {  	v18 =	vadd.s32 v18, v17  }
0x129: {  	v17 =	vshll.u32 v17, $0x7;
	v18 =	vshra.s32 v18, $0x3  }
0x12a: {  	v17 =	vadd.s32 v17, v4;
	v19 =	vshll.u32 v18, $0xB  }
0x12b: {  	v18 =	vshll.u32 v18, $0xA;
	v17 =	vadd.s32 v19, v17  }
0x12c: {  	v17 =	vsub.s32 v17, v18  }
0x12d: {  	v18 =	vadd.s32 v10, v17  }
0x12e: {  	[tilespmem:$0x2040] =	vst v18;
	v18 =	vadd.s32 v15, v17  }
0x12f: {  	[tilespmem:$0x2050] =	vst v18;
	v18 =	vadd.s32 v16, v17  }
0x130: {  	v17 =	vadd.s32 $0xBB8000, v17;
	[tilespmem:$0x2060] =	vst v18  }
0x131: {  	s2 =	simm.s32 $0x1388;
	[tilespmem:$0x2070] =	vst v17  }
0x132: {  	[tilespmem:s20], [sflag:$0x1] =	stream.indirect.gather [hbm4b:s1+s10], $0x1, s19, s10, $0xb8;
	[tilespmem:$0x2360] =	vst v63  }
0x133: {  	v17 =	vld [tilespmem:s2+$0x0];
	_ =	sdelay $0x3  }
0x134: {  	v18 =	vimm.f32 $-Inf;
	s2 =	simm.s32 $0x0  }
0x135: {  	s30 =	simm.s32 $0x10;
	s31 =	simm.s32 $0x1398;
	v19 =	vimm.s32 $0x0;
	v20 =	vor.u32 s2, v8;
	vm0 =	vgt.f32 v17, v18  }
.LBB2_12:
0x136: {  	p0 =	sne.s32 s30, $0x3D0;
	v18 =	vsel vm0, v17, v18;
	v17 =	vld [tilespmem:s31+$0x0];
	v19 =	vsel vm0, v20, v19;
	s2 =	smov.u32 s30;
	s30 =	sadd.s32 $0x10, s30  }
.Ltmp5:
0x137: {  	(pc) =	sbr.rel @p0 .LBB2_12-.Ltmp5, $2  }
0x138: {  	_ =	sdelay $0x2  }
0x139: {  	s31 =	sadd.s32 $0x10, s31;
	v20 =	vor.u32 s2, v8;
	vm0 =	vgt.f32 v17, v18  }
0x13a: {  	v21 =	vld [tilespmem:$0x1760];
	_ =	sdelay $0x3  }
0x13b: {  	v17 =	vsel vm0, v17, v18  }
0x13c: {  	vm1 =	vgt.f32 v21, v17  }
0x13d: {  	v18 =	vsel vm0, v20, v19;
	v17 =	vsel vm1, v21, v17  }
0x13e: {  	v18 =	vsel vm1, v9, v18;
	[tilespmem:$0x2340] =	vst v17  }
0x13f: {  	[tilespmem:$0x2350] =	vst v18  }
0x140: {  	v19 =	vld.idx.msk [tilespmem:v11+s8+$0x0], $0xffff  }
0x141: {  	v20 =	vld.idx.msk [tilespmem:v11+s9+$0x0], $0xffff;
	_ =	sdelay $0x4  }
0x142: {  	vm0 =	veq.f32 v19, v17;
	vm1 =	vlt.s32 v20, v18  }
0x143: {  	vm2 =	vgt.f32 v19, v17;
	vm0 =	vmand vm0, vm1  }
0x144: {  	vm0 =	vmor vm2, vm0  }
0x145: {  	v17 =	vsel vm0, v19, v17  }
0x146: {  	v18 =	vsel vm0, v20, v18;
	[tilespmem:$0x2340] =	vst v17  }
0x147: {  	[tilespmem:$0x2350] =	vst v18  }
0x148: {  	v19 =	vld.idx.msk [tilespmem:v12+s8+$0x0], $0xffff  }
0x149: {  	v20 =	vld.idx.msk [tilespmem:v12+s9+$0x0], $0xffff;
	_ =	sdelay $0x4  }
0x14a: {  	vm0 =	veq.f32 v19, v17;
	vm1 =	vlt.s32 v20, v18  }
0x14b: {  	vm2 =	vgt.f32 v19, v17;
	vm0 =	vmand vm0, vm1  }
0x14c: {  	vm0 =	vmor vm2, vm0  }
0x14d: {  	v17 =	vsel vm0, v19, v17  }
0x14e: {  	v18 =	vsel vm0, v20, v18;
	[tilespmem:$0x2340] =	vst v17  }
0x14f: {  	[tilespmem:$0x2350] =	vst v18  }
0x150: {  	v19 =	vld.idx.msk [tilespmem:v13+s8+$0x0], $0xffff  }
0x151: {  	v20 =	vld.idx.msk [tilespmem:v13+s9+$0x0], $0xffff;
	_ =	sdelay $0x4  }
0x152: {  	vm0 =	veq.f32 v19, v17;
	vm1 =	vlt.s32 v20, v18  }
0x153: {  	vm2 =	vgt.f32 v19, v17;
	vm0 =	vmand vm0, vm1  }
0x154: {  	vm0 =	vmor vm2, vm0  }
0x155: {  	v17 =	vsel vm0, v19, v17  }
0x156: {  	v18 =	vsel vm0, v20, v18;
	[tilespmem:$0x2340] =	vst v17  }
0x157: {  	[tilespmem:$0x2350] =	vst v18  }
0x158: {  	v19 =	vld.idx.msk [tilespmem:v14+s8+$0x0], $0xffff  }
0x159: {  	v20 =	vld.idx.msk [tilespmem:v14+s9+$0x0], $0xffff;
	_ =	sdelay $0x4  }
0x15a: {  	vm0 =	veq.f32 v19, v17;
	vm1 =	vlt.s32 v20, v18  }
0x15b: {  	vm2 =	vgt.f32 v19, v17;
	vm0 =	vmand vm0, vm1  }
0x15c: {  	vm0 =	vmor vm2, vm0  }
0x15d: {  	v17 =	vsel vm0, v20, v18  }
0x15e: {  	v18 =	vshra.s32 v17, $0x1F  }
0x15f: {  	v18 =	vshrl.u32 v18, $0x1D  }
0x160: {  	v18 =	vadd.s32 v18, v17  }
0x161: {  	v17 =	vshll.u32 v17, $0x7;
	v18 =	vshra.s32 v18, $0x3  }
0x162: {  	v17 =	vadd.s32 v17, v5;
	v19 =	vshll.u32 v18, $0xB  }
0x163: {  	v18 =	vshll.u32 v18, $0xA;
	v17 =	vadd.s32 v19, v17  }
0x164: {  	v17 =	vsub.s32 v17, v18  }
0x165: {  	v18 =	vadd.s32 v10, v17  }
0x166: {  	[tilespmem:$0x2080] =	vst v18;
	v18 =	vadd.s32 v15, v17  }
0x167: {  	[tilespmem:$0x2090] =	vst v18;
	v18 =	vadd.s32 v16, v17  }
0x168: {  	v17 =	vadd.s32 $0xBB8000, v17;
	[tilespmem:$0x20A0] =	vst v18  }
0x169: {  	s2 =	simm.s32 $0x1770;
	[tilespmem:$0x20B0] =	vst v17  }
0x16a: {  	[tilespmem:s22], [sflag:$0x1] =	stream.indirect.gather [hbm4b:s1+s10], $0x1, s21, s10, $0xb8;
	[tilespmem:$0x2360] =	vst v63  }
0x16b: {  	v17 =	vld [tilespmem:s2+$0x0];
	_ =	sdelay $0x3  }
0x16c: {  	v18 =	vimm.f32 $-Inf;
	s2 =	simm.s32 $0x0  }
0x16d: {  	s30 =	simm.s32 $0x10;
	s31 =	simm.s32 $0x1780;
	v19 =	vimm.s32 $0x0;
	v20 =	vor.u32 s2, v8;
	vm0 =	vgt.f32 v17, v18  }
.LBB2_14:
0x16e: {  	p0 =	sne.s32 s30, $0x3D0;
	v18 =	vsel vm0, v17, v18;
	v17 =	vld [tilespmem:s31+$0x0];
	v19 =	vsel vm0, v20, v19;
	s2 =	smov.u32 s30;
	s30 =	sadd.s32 $0x10, s30  }
.Ltmp6:
0x16f: {  	(pc) =	sbr.rel @p0 .LBB2_14-.Ltmp6, $2  }
0x170: {  	_ =	sdelay $0x2  }
0x171: {  	s31 =	sadd.s32 $0x10, s31;
	v20 =	vor.u32 s2, v8;
	vm0 =	vgt.f32 v17, v18  }
0x172: {  	v21 =	vld [tilespmem:$0x1B48];
	_ =	sdelay $0x3  }
0x173: {  	v17 =	vsel vm0, v17, v18  }
0x174: {  	vm1 =	vgt.f32 v21, v17  }
0x175: {  	v18 =	vsel vm0, v20, v19;
	v17 =	vsel vm1, v21, v17  }
0x176: {  	v18 =	vsel vm1, v9, v18;
	[tilespmem:$0x2340] =	vst v17  }
0x177: {  	[tilespmem:$0x2350] =	vst v18  }
0x178: {  	v19 =	vld.idx.msk [tilespmem:v11+s8+$0x0], $0xffff  }
0x179: {  	v20 =	vld.idx.msk [tilespmem:v11+s9+$0x0], $0xffff;
	_ =	sdelay $0x4  }
0x17a: {  	vm0 =	veq.f32 v19, v17;
	vm1 =	vlt.s32 v20, v18  }
0x17b: {  	vm2 =	vgt.f32 v19, v17;
	vm0 =	vmand vm0, vm1  }
0x17c: {  	vm0 =	vmor vm2, vm0  }
0x17d: {  	v17 =	vsel vm0, v19, v17  }
0x17e: {  	v18 =	vsel vm0, v20, v18;
	[tilespmem:$0x2340] =	vst v17  }
0x17f: {  	[tilespmem:$0x2350] =	vst v18  }
0x180: {  	v19 =	vld.idx.msk [tilespmem:v12+s8+$0x0], $0xffff  }
0x181: {  	v20 =	vld.idx.msk [tilespmem:v12+s9+$0x0], $0xffff;
	_ =	sdelay $0x4  }
0x182: {  	vm0 =	veq.f32 v19, v17;
	vm1 =	vlt.s32 v20, v18  }
0x183: {  	vm2 =	vgt.f32 v19, v17;
	vm0 =	vmand vm0, vm1  }
0x184: {  	vm0 =	vmor vm2, vm0  }
0x185: {  	v17 =	vsel vm0, v19, v17  }
0x186: {  	v18 =	vsel vm0, v20, v18;
	[tilespmem:$0x2340] =	vst v17  }
0x187: {  	[tilespmem:$0x2350] =	vst v18  }
0x188: {  	v19 =	vld.idx.msk [tilespmem:v13+s8+$0x0], $0xffff  }
0x189: {  	v20 =	vld.idx.msk [tilespmem:v13+s9+$0x0], $0xffff;
	_ =	sdelay $0x4  }
0x18a: {  	vm0 =	veq.f32 v19, v17;
	vm1 =	vlt.s32 v20, v18  }
0x18b: {  	vm2 =	vgt.f32 v19, v17;
	vm0 =	vmand vm0, vm1  }
0x18c: {  	vm0 =	vmor vm2, vm0  }
0x18d: {  	v17 =	vsel vm0, v19, v17  }
0x18e: {  	v18 =	vsel vm0, v20, v18;
	[tilespmem:$0x2340] =	vst v17  }
0x18f: {  	[tilespmem:$0x2350] =	vst v18  }
0x190: {  	v19 =	vld.idx.msk [tilespmem:v14+s8+$0x0], $0xffff  }
0x191: {  	v20 =	vld.idx.msk [tilespmem:v14+s9+$0x0], $0xffff;
	_ =	sdelay $0x4  }
0x192: {  	vm0 =	veq.f32 v19, v17;
	vm1 =	vlt.s32 v20, v18  }
0x193: {  	vm2 =	vgt.f32 v19, v17;
	vm0 =	vmand vm0, vm1  }
0x194: {  	vm0 =	vmor vm2, vm0  }
0x195: {  	v17 =	vsel vm0, v20, v18  }
0x196: {  	v18 =	vshra.s32 v17, $0x1F  }
0x197: {  	v18 =	vshrl.u32 v18, $0x1D  }
0x198: {  	v18 =	vadd.s32 v18, v17  }
0x199: {  	v17 =	vshll.u32 v17, $0x7;
	v18 =	vshra.s32 v18, $0x3  }
0x19a: {  	v17 =	vadd.s32 v17, v6;
	v19 =	vshll.u32 v18, $0xB  }
0x19b: {  	v18 =	vshll.u32 v18, $0xA;
	v17 =	vadd.s32 v19, v17  }
0x19c: {  	v17 =	vsub.s32 v17, v18  }
0x19d: {  	v18 =	vadd.s32 v10, v17  }
0x19e: {  	[tilespmem:$0x20C0] =	vst v18;
	v18 =	vadd.s32 v15, v17  }
0x19f: {  	[tilespmem:$0x20D0] =	vst v18;
	v18 =	vadd.s32 v16, v17  }
0x1a0: {  	v17 =	vadd.s32 $0xBB8000, v17;
	[tilespmem:$0x20E0] =	vst v18  }
0x1a1: {  	s2 =	simm.s32 $0x1B58;
	[tilespmem:$0x20F0] =	vst v17  }
0x1a2: {  	[tilespmem:s24], [sflag:$0x1] =	stream.indirect.gather [hbm4b:s1+s10], $0x1, s23, s10, $0xb8;
	[tilespmem:$0x2360] =	vst v63  }
0x1a3: {  	v17 =	vld [tilespmem:s2+$0x0];
	_ =	sdelay $0x3  }
0x1a4: {  	v18 =	vimm.f32 $-Inf;
	s2 =	simm.s32 $0x0  }
0x1a5: {  	s30 =	simm.s32 $0x10;
	s31 =	simm.s32 $0x1B68;
	v19 =	vimm.s32 $0x0;
	v20 =	vor.u32 s2, v8;
	vm0 =	vgt.f32 v17, v18  }
.LBB2_16:
0x1a6: {  	p0 =	sne.s32 s30, $0x3D0;
	v18 =	vsel vm0, v17, v18;
	v17 =	vld [tilespmem:s31+$0x0];
	v19 =	vsel vm0, v20, v19;
	s2 =	smov.u32 s30;
	s30 =	sadd.s32 $0x10, s30  }
.Ltmp7:
0x1a7: {  	(pc) =	sbr.rel @p0 .LBB2_16-.Ltmp7, $2  }
0x1a8: {  	_ =	sdelay $0x2  }
0x1a9: {  	s31 =	sadd.s32 $0x10, s31;
	v20 =	vor.u32 s2, v8;
	vm0 =	vgt.f32 v17, v18  }
0x1aa: {  	v21 =	vld [tilespmem:$0x1F30];
	_ =	sdelay $0x3  }
0x1ab: {  	v17 =	vsel vm0, v17, v18  }
0x1ac: {  	vm1 =	vgt.f32 v21, v17  }
0x1ad: {  	v18 =	vsel vm0, v20, v19;
	v17 =	vsel vm1, v21, v17  }
0x1ae: {  	v18 =	vsel vm1, v9, v18;
	[tilespmem:$0x2340] =	vst v17  }
0x1af: {  	[tilespmem:$0x2350] =	vst v18  }
0x1b0: {  	v19 =	vld.idx.msk [tilespmem:v11+s8+$0x0], $0xffff  }
0x1b1: {  	v60 =	vld.idx.msk [tilespmem:v11+s9+$0x0], $0xffff;
	_ =	sdelay $0x4  }
0x1b2: {  	vm6 =	veq.f32 v19, v17;
	vm1 =	vlt.s32 v60, v18  }
0x1b3: {  	vm2 =	vgt.f32 v19, v17;
	vm0 =	vmand vm6, vm1  }
0x1b4: {  	vm0 =	vmor vm2, vm0  }
0x1b5: {  	v17 =	vsel vm0, v19, v17  }
0x1b6: {  	v18 =	vsel vm0, v60, v18;
	[tilespmem:$0x2340] =	vst v17  }
0x1b7: {  	[tilespmem:$0x2350] =	vst v18  }
0x1b8: {  	v19 =	vld.idx.msk [tilespmem:v12+s8+$0x0], $0xffff  }
0x1b9: {  	v61 =	vld.idx.msk [tilespmem:v12+s9+$0x0], $0xffff;
	_ =	sdelay $0x4  }
0x1ba: {  	vm7 =	veq.f32 v19, v17;
	vm8 =	vlt.s32 v61, v18  }
0x1bb: {  	vm9 =	vgt.f32 v19, v17;
	vm0 =	vmand vm7, vm8  }
0x1bc: {  	vm0 =	vmor vm9, vm0  }
0x1bd: {  	v17 =	vsel vm0, v19, v17  }
0x1be: {  	v18 =	vsel vm0, v61, v18;
	[tilespmem:$0x2340] =	vst v17  }
0x1bf: {  	[tilespmem:$0x2350] =	vst v18  }
0x1c0: {  	v19 =	vld.idx.msk [tilespmem:v13+s8+$0x0], $0xffff  }
0x1c1: {  	v62 =	vld.idx.msk [tilespmem:v13+s9+$0x0], $0xffff;
	_ =	sdelay $0x4  }
0x1c2: {  	vm10 =	veq.f32 v19, v17;
	vm11 =	vlt.s32 v62, v18  }
0x1c3: {  	vm12 =	vgt.f32 v19, v17;
	vm0 =	vmand vm10, vm11  }
0x1c4: {  	vm0 =	vmor vm12, vm0  }
0x1c5: {  	v17 =	vsel vm0, v19, v17  }
0x1c6: {  	v18 =	vsel vm0, v62, v18;
	[tilespmem:$0x2340] =	vst v17  }
0x1c7: {  	[tilespmem:$0x2350] =	vst v18  }
0x1c8: {  	v19 =	vld.idx.msk [tilespmem:v14+s8+$0x0], $0xffff  }
0x1c9: {  	v63 =	vld.idx.msk [tilespmem:v14+s9+$0x0], $0xffff;
	_ =	sdelay $0x4  }
0x1ca: {  	vm13 =	veq.f32 v19, v17;
	vm14 =	vlt.s32 v63, v18  }
0x1cb: {  	vm15 =	vgt.f32 v19, v17;
	vm0 =	vmand vm13, vm14  }
0x1cc: {  	vm0 =	vmor vm15, vm0  }
0x1cd: {  	v17 =	vsel vm0, v63, v18  }
0x1ce: {  	v18 =	vshra.s32 v17, $0x1F  }
0x1cf: {  	v18 =	vshrl.u32 v18, $0x1D  }
0x1d0: {  	v18 =	vadd.s32 v18, v17  }
0x1d1: {  	v17 =	vshll.u32 v17, $0x7;
	v18 =	vshra.s32 v18, $0x3  }
0x1d2: {  	v17 =	vadd.s32 v17, v7;
	v19 =	vshll.u32 v18, $0xB  }
0x1d3: {  	v18 =	vshll.u32 v18, $0xA;
	v17 =	vadd.s32 v19, v17  }
0x1d4: {  	v17 =	vsub.s32 v17, v18  }
0x1d5: {  	v18 =	vadd.s32 v10, v17  }
0x1d6: {  	[tilespmem:$0x2100] =	vst v18;
	v18 =	vadd.s32 v15, v17  }
0x1d7: {  	[tilespmem:$0x2110] =	vst v18;
	v18 =	vadd.s32 v16, v17  }
0x1d8: {  	v17 =	vadd.s32 $0xBB8000, v17;
	[tilespmem:$0x2120] =	vst v18  }
0x1d9: {  	[tilespmem:$0x2130] =	vst v17  }
0x1da: {  	[tilespmem:s26], [sflag:$0x1] =	stream.indirect.gather [hbm4b:s1+s10], $0x1, s25, s10, $0xb8;
	[tilespmem:$0x2360] =	vst v63  }
0x1db: {  	_ =	swait.ge [sflag:s28], $0x40  }
0x1dc: {  	[sflag:s28] =	ssyncset.done $0x0  }
0x1dd: {  	[sflag:s28] =	ssyncadd.s32 $0xFFFFFFC0  }
0x1de: {  	_ =	swait.ge [sflag:s28], $0x40  }
0x1df: {  	[sflag:s28] =	ssyncset.done $0x0  }
0x1e0: {  	[sflag:s28] =	ssyncadd.s32 $0xFFFFFFC0  }
0x1e1: {  	_ =	swait.ge [sflag:s28], $0x40  }
0x1e2: {  	[sflag:s28] =	ssyncset.done $0x0  }
0x1e3: {  	[sflag:s28] =	ssyncadd.s32 $0xFFFFFFC0  }
0x1e4: {  	_ =	swait.ge [sflag:s28], $0x40  }
0x1e5: {  	[sflag:s28] =	ssyncset.done $0x0  }
0x1e6: {  	[sflag:s28] =	ssyncadd.s32 $0xFFFFFFC0  }
0x1e7: {  	_ =	swait.ge [sflag:s28], $0x40  }
0x1e8: {  	[sflag:s28] =	ssyncset.done $0x0  }
0x1e9: {  	[sflag:s28] =	ssyncadd.s32 $0xFFFFFFC0  }
0x1ea: {  	_ =	swait.ge [sflag:s28], $0x40  }
0x1eb: {  	[sflag:s28] =	ssyncset.done $0x0  }
0x1ec: {  	[sflag:s28] =	ssyncadd.s32 $0xFFFFFFC0  }
0x1ed: {  	_ =	swait.ge [sflag:s28], $0x40  }
0x1ee: {  	[sflag:s28] =	ssyncset.done $0x0  }
0x1ef: {  	[sflag:s28] =	ssyncadd.s32 $0xFFFFFFC0  }
0x1f0: {  	s29 =	sadd.s32 $0x1, s29;
	_ =	swait.ge [sflag:s28], $0x40  }
0x1f1: {  	p0 =	sne.s32 s29, s6;
	[sflag:s28] =	ssyncset.done $0x0  }
.Ltmp8:
0x1f2: {  	[sflag:s28] =	ssyncadd.s32 $0xFFFFFFC0;
	(pc) =	sbr.rel @p0 .LBB2_1-.Ltmp8, $4  }
0x1f3: {  	[hbm4b:s5+s3] =	stream.linear.scatter [tilespmem:s12], [sflag:$0x2], $0x200, $0x38;
	[tilespmem:$0x2360] =	vst v63  }
0x1f4: {  	_ =	swait.ge [sflag:s7], $0x200  }
0x1f5: {  	[sflag:s7] =	ssyncset.done $0x0  }
0x1f6: {  	[sflag:s7] =	ssyncadd.s32 $0xFFFFFE00  }
0x1f7: {  	_ =	sfence.sel $0x180000  }
0x1f8: {  	[bflag:$0x0] =	sbarrier.arrive $0xFFFF  }
0x1f9: {  	_ =	strace $0x90000047  }
0x1fa: {  	[bflag:$0x2] =	sbarrier.arrive $0xFFFF  }
0x1fb: {  	p0 =	sne.s32 s0, $0x0;
	s0 =	rddreg [dreg:$0x3]  }
0x1fc: {  	s0 =	sadd.s32 @!p0 $0x100000, s0  }
0x1fd: {  	[sflag:s0] =	ssyncadd.tile.s32 @!p0 $0x1;
	_ =	shalt  }
.Lfunc_end2:
_tile_overlayer_lowered:
.L_overlay_start_2:
0x1fe: {  	(tag) =	ssettag $0x2  }
0x1ff: {  	s0 =	rddreg [dreg:$0x0];
	s2 =	stileid.u32  }
0x200: {  	s1 =	rddreg [dreg:$0x1];
	p0 =	sne.s32 s2, $0x0  }
0x201: {  	s3 =	rddreg [dreg:$0x2];
	[bflag:$0x3] =	sbarrier.arrive $0xFFFF;
	s2 =	simm.s32 @!p0 $0x1C02  }
0x202: {  	[timem:s3], [sflag:s2] =	dma.local @!p0 [hbm:s0], s1  }
0x203: {  	s0 =	simm.s32 @!p0 $0x2  }
0x204: {  	_ =	swait.ge @!p0 [sflag:s0], s1  }
0x205: {  	s1 =	ssub.s32 @!p0 $0x0, s1;
	[sflag:s0] =	ssyncset.done @!p0 $0x0  }
0x206: {  	[sflag:s0] =	ssyncadd.s32 @!p0 s1  }
0x207: {  	[bflag:$0x3] =	sbarrier.arrive $0xFFFF  }
0x208: {  	_ =	shalt  }

</sc_bundles>
